<compile_context>
chip_gen: v7x
topology: tpu7x:2x2x1
jax: 0.10.2.dev20260603
libtpu: 0.0.44.dev20260713+nightly
codegen_flags: <defaults>
</compile_context>

<pallas_src>
import functools
import math

import jax
import jax.numpy as jnp
from jax import lax
from jax.experimental import pallas as pl
from jax.experimental.pallas import tpu as pltpu
from jax.experimental.pallas import tpu_sc as plsc

D_MODEL = 1024
N_EXPERTS = 16
TOP_K = 2
T_TOKENS = 2048
CAP = 320
NSLOT = N_EXPERTS * CAP

_TBLK = 128
_NTB = T_TOKENS // _TBLK
_RBLK = 256
_NRB = T_TOKENS // _RBLK
_XPROWS = (_NRB + 1) * _RBLK

_SC_CORES = 1
_SC_SUBCORES = 16
_NW = _SC_CORES * _SC_SUBCORES
_SLOTS_PER_W = NSLOT // _NW
_CHUNK = 40
_TOKPAD = 5632
_DUMMY_ROW = T_TOKENS


def _rank_slots(oh, cnt_ref, kidx, rblk):
    ohf = oh.astype(jnp.float32)
    ohb = oh.astype(jnp.bfloat16)
    tri = (lax.broadcasted_iota(jnp.int32, (rblk, rblk), 0)
           > lax.broadcasted_iota(jnp.int32, (rblk, rblk), 1)).astype(jnp.bfloat16)
    excl = lax.dot_general(tri, ohb, (((1,), (0,)), ((), ())),
                           preferred_element_type=jnp.float32)
    excl = excl + cnt_ref[...]
    r = jnp.sum(excl * ohf, axis=1, keepdims=True)
    cnt_ref[...] = cnt_ref[...] + jnp.sum(ohf, axis=0, keepdims=True)
    ri = r.astype(jnp.int32)
    return jnp.where(ri < CAP, kidx * CAP + ri, -1)


def _routing_body(x_ref, w_ref, logits_ref, j_ref, p_ref, jt_ref, pt_ref,
                  xpad_ref, cnt_ref, l_s, i1_s, p1_s):
    pid = pl.program_id(0)
    phase0 = pid < _NRB
    rows = pl.ds((pid % _NRB) * _RBLK, _RBLK)
    xpad_ref[...] = jnp.where(phase0, x_ref[...], 0.0).reshape(
        _RBLK, D_MODEL // 128, 128)

    @pl.when(pid == 0)
    def _init():
        cnt_ref[...] = jnp.zeros((1, N_EXPERTS), jnp.float32)

    col = lax.broadcasted_iota(jnp.int32, (_RBLK, N_EXPERTS), 1)

    @pl.when(phase0)
    def _k0():
        x = x_ref[...].astype(jnp.bfloat16)
        w = w_ref[...].astype(jnp.bfloat16)
        l = lax.dot_general(x, w, (((1,), (1,)), ((), ())),
                            preferred_element_type=jnp.float32)
        m0 = jnp.max(l, axis=1, keepdims=True)
        i0 = jnp.min(jnp.where(l == m0, col, N_EXPERTS), axis=1, keepdims=True)
        lm = jnp.where(col == i0, -jnp.inf, l)
        m1 = jnp.max(lm, axis=1, keepdims=True)
        i1 = jnp.min(jnp.where(lm == m1, col, N_EXPERTS), axis=1, keepdims=True)
        e = jnp.exp(m1 - m0)
        logits_ref[...] = l
        l_s[rows, :] = l
        i1_s[rows, :] = i1
        p1_s[rows, :] = e / (1.0 + e)
        p0 = 1.0 / (1.0 + e)
        p_ref[...] = p0
        j = _rank_slots(col == i0, cnt_ref, i0, _RBLK)
        j_ref[...] = j
        jt_ref[...] = jnp.transpose(j, (1, 0)).reshape(1, 1, _RBLK)
        pt_ref[...] = jnp.transpose(p0, (1, 0)).reshape(1, 1, _RBLK)

    @pl.when(jnp.logical_not(phase0))
    def _k1():
        i1 = i1_s[rows, :]
        logits_ref[...] = l_s[rows, :]
        p1 = p1_s[rows, :]
        p_ref[...] = p1
        j = _rank_slots(col == i1, cnt_ref, i1, _RBLK)
        j_ref[...] = j
        jt_ref[...] = jnp.transpose(j, (1, 0)).reshape(1, 1, _RBLK)
        pt_ref[...] = jnp.transpose(p1, (1, 0)).reshape(1, 1, _RBLK)


def _routing(x2d, w_gate):
    return pl.pallas_call(
        _routing_body,
        grid=(2 * _NRB,),
        in_specs=[
            pl.BlockSpec((_RBLK, D_MODEL),
                         lambda i: (jnp.where(i < _NRB, i, 0), 0)),
            pl.BlockSpec((N_EXPERTS, D_MODEL), lambda i: (0, 0)),
        ],
        out_specs=[
            pl.BlockSpec((_RBLK, N_EXPERTS), lambda i: (i % _NRB, 0)),
            pl.BlockSpec((_RBLK, 1), lambda i: (i, 0)),
            pl.BlockSpec((_RBLK, 1), lambda i: (i, 0)),
            pl.BlockSpec((1, 1, _RBLK), lambda i: (i, 0, 0)),
            pl.BlockSpec((1, 1, _RBLK), lambda i: (i, 0, 0)),
            pl.BlockSpec((_RBLK, D_MODEL // 128, 128),
                         lambda i: (jnp.where(i < _NRB, i, _NRB), 0, 0)),
        ],
        out_shape=[
            jax.ShapeDtypeStruct((T_TOKENS, N_EXPERTS), jnp.float32),
            jax.ShapeDtypeStruct((TOP_K * T_TOKENS, 1), jnp.int32),
            jax.ShapeDtypeStruct((TOP_K * T_TOKENS, 1), jnp.float32),
            jax.ShapeDtypeStruct((2 * _NRB, 1, _RBLK), jnp.int32),
            jax.ShapeDtypeStruct((2 * _NRB, 1, _RBLK), jnp.float32),
            jax.ShapeDtypeStruct((_XPROWS, D_MODEL // 128, 128), jnp.float32),
        ],
        scratch_shapes=[
            pltpu.VMEM((1, N_EXPERTS), jnp.float32),
            pltpu.VMEM((T_TOKENS, N_EXPERTS), jnp.float32),
            pltpu.VMEM((T_TOKENS, 1), jnp.int32),
            pltpu.VMEM((T_TOKENS, 1), jnp.float32),
        ],
    )(x2d, w_gate)


def _dense_body(j0_ref, j1_ref, p0_ref, p1_ref, ew_ref, mask_ref):
    jio = (lax.broadcasted_iota(jnp.int32, (N_EXPERTS, CAP, _RBLK), 0) * CAP
           + lax.broadcasted_iota(jnp.int32, (N_EXPERTS, CAP, _RBLK), 1))
    j0 = j0_ref[...]
    j1 = j1_ref[...]
    zero = jnp.zeros((N_EXPERTS, CAP, _RBLK), jnp.float32)
    ew = (jnp.where(jio == j0, p0_ref[...], zero)
          + jnp.where(jio == j1, p1_ref[...], zero))
    ew_ref[...] = ew
    mask_ref[...] = (ew != 0.0).astype(jnp.int8)


def _dense_dispatch(jt, pt):
    return pl.pallas_call(
        _dense_body,
        grid=(_NRB,),
        in_specs=[
            pl.BlockSpec((1, 1, _RBLK), lambda i: (i, 0, 0)),
            pl.BlockSpec((1, 1, _RBLK), lambda i: (i + _NRB, 0, 0)),
            pl.BlockSpec((1, 1, _RBLK), lambda i: (i, 0, 0)),
            pl.BlockSpec((1, 1, _RBLK), lambda i: (i + _NRB, 0, 0)),
        ],
        out_specs=[
            pl.BlockSpec((N_EXPERTS, CAP, _RBLK), lambda i: (0, 0, i)),
            pl.BlockSpec((N_EXPERTS, CAP, _RBLK), lambda i: (0, 0, i)),
        ],
        out_shape=[
            jax.ShapeDtypeStruct((N_EXPERTS, CAP, T_TOKENS), jnp.float32),
            jax.ShapeDtypeStruct((N_EXPERTS, CAP, T_TOKENS), jnp.int8),
        ],
    )(jt, jt, pt, pt)


def _dispatch_body(x_hbm, jcat_hbm, out_hbm, jsl_v, pidx_v, pval_v, init_v,
                   idx_v, rows_v, shared_tok, gsem0, gsem1, gsem2,
                   wsem0, wsem1, wsem2):
    cid = lax.axis_index("c")
    sid = lax.axis_index("s")
    wid = cid * _SC_SUBCORES + sid
    npair = TOP_K * T_TOKENS // _SC_SUBCORES
    stripe = _TOKPAD // _SC_SUBCORES

    pltpu.sync_copy(jcat_hbm.at[pl.ds(sid * npair, npair)], jsl_v)

    def init_body(i, _):
        init_v[pl.ds(i * 16, 16)] = jnp.full((16,), _DUMMY_ROW, jnp.int32)
        return None
    lax.fori_loop(0, stripe // 16, init_body, None)
    pltpu.sync_copy(init_v, shared_tok.at[pl.ds(sid * stripe, stripe)])

    def prep_body(i, _):
        q0 = sid * npair + i * 16
        j = jsl_v[pl.ds(i * 16, 16)]
        t0 = jnp.where(q0 >= T_TOKENS, q0 - T_TOKENS, q0)
        tvals = lax.iota(jnp.int32, 16) + t0
        c = i // 8
        o = (i % 8) * 16
        pidx_v[c, pl.ds(o, 16)] = jnp.where(j >= 0, j, NSLOT)
        pval_v[c, pl.ds(o, 16)] = tvals
        return None
    lax.fori_loop(0, npair // 16, prep_body, None)

    plsc.subcore_barrier()
    pltpu.sync_copy(pval_v.at[0], shared_tok.at[pidx_v.at[0]])
    pltpu.sync_copy(pval_v.at[1], shared_tok.at[pidx_v.at[1]])
    plsc.subcore_barrier()
    nch = _SLOTS_PER_W // _CHUNK
    nbuf = 2
    base = wid * _SLOTS_PER_W
    pltpu.sync_copy(shared_tok.at[pl.ds(base, _SLOTS_PER_W)], idx_v)

    gsems = (gsem0, gsem1)
    wsems = (wsem0, wsem1)

    def start_g(c):
        return pltpu.async_copy(x_hbm.at[idx_v.at[pl.ds(c * _CHUNK, _CHUNK)]],
                                rows_v.at[c % nbuf], gsems[c % nbuf])

    def start_w(c):
        return pltpu.async_copy(rows_v.at[c % nbuf],
                                out_hbm.at[pl.ds(base + c * _CHUNK, _CHUNK)],
                                wsems[c % nbuf])

    gd = [None] * nch
    wd = [None] * nch
    for c in range(nbuf):
        gd[c] = start_g(c)
    for c in range(nch):
        gd[c].wait()
        wd[c] = start_w(c)
        if c + nbuf < nch:
            wd[c].wait()
            gd[c + nbuf] = start_g(c + nbuf)
    for c in range(max(0, nch - nbuf), nch):
        if wd[c] is not None:
            wd[c].wait()


@functools.lru_cache(maxsize=None)
def _make_dispatch_rows():
    return pl.kernel(
        _dispatch_body,
        out_type=jax.ShapeDtypeStruct((NSLOT, D_MODEL), jnp.float32),
        mesh=plsc.VectorSubcoreMesh(core_axis_name="c", subcore_axis_name="s",
                                    num_cores=_SC_CORES,
                                    num_subcores=_SC_SUBCORES),
        scratch_types=[
            pltpu.VMEM((TOP_K * T_TOKENS // _SC_SUBCORES,), jnp.int32),
            pltpu.VMEM((2, 128), jnp.int32),
            pltpu.VMEM((2, 128), jnp.int32),
            pltpu.VMEM((_TOKPAD // _SC_SUBCORES,), jnp.int32),
            pltpu.VMEM((_SLOTS_PER_W,), jnp.int32),
            pltpu.VMEM((2, _CHUNK, D_MODEL), jnp.float32),
            pltpu.VMEM_SHARED((_TOKPAD,), jnp.int32),
            pltpu.SemaphoreType.DMA,
            pltpu.SemaphoreType.DMA,
            pltpu.SemaphoreType.DMA,
            pltpu.SemaphoreType.DMA,
            pltpu.SemaphoreType.DMA,
            pltpu.SemaphoreType.DMA,
        ],
        compiler_params=pltpu.CompilerParams(needs_layout_passes=False,
                                             use_tc_tiling_on_sc=True),
    )


def kernel(x, w_gate):
    b, s, d = x.shape
    x2d = x.reshape(b * s, d).astype(jnp.float32)
    logits, jcat, pcat, jt, pt, x_pad = _routing(x2d, w_gate)
    ewt, maskt = _dense_dispatch(jt, pt)
    expert_weights = jnp.transpose(ewt, (2, 0, 1))
    expert_mask_out = jnp.transpose(maskt, (2, 0, 1)).astype(jnp.bool_)
    xv = x_pad.reshape(_XPROWS, D_MODEL)
    eb_flat = _make_dispatch_rows()(xv, jcat.reshape(TOP_K * T_TOKENS))
    expert_batches = eb_flat.reshape(N_EXPERTS, CAP, D_MODEL)
    router_logits = logits.reshape(b, s, N_EXPERTS)
    return expert_weights, expert_mask_out, expert_batches, router_logits

# --- scband reference (transcript-rebuilt; emitter-appended) ---
"""Pipeline reference for scband-mo-erouter-12043088298372 (READ-ONLY COPY).

The authoritative reference and input builder live on the scoring server;
editing this copy changes nothing except your own understanding.
"""

import jax, jax.numpy as jnp
import numpy as np
import math

D_MODEL = 1024
N_EXPERTS = 16
TOP_K = 2
CAP_FACTOR = 1.25
B, S = 1, 2048


def _capacity(num_tokens):
    cap = math.floor(TOP_K * CAP_FACTOR * num_tokens / N_EXPERTS)
    cap += cap % 2
    return max(int(cap), 2)


def setup_inputs(seed: int = 0) -> dict:
    key = jax.random.key(seed)
    k1, k2 = jax.random.split(key)
    x = jax.random.normal(k1, (B, S, D_MODEL), dtype=jnp.float32)
    # nn.Linear(d_model, n_experts, bias=False) weight: [n_experts, d_model]
    w_gate = jax.random.normal(k2, (N_EXPERTS, D_MODEL), dtype=jnp.float32) / math.sqrt(D_MODEL)
    return {"x": x, "w_gate": w_gate}


def reference(x, w_gate):
    b, s, d = x.shape
    num_tokens = b * s
    x32 = x.astype(jnp.float32)
    # router logits: x @ w_gate.T
    router_logits = jnp.einsum('bsd,ed->bse', x32, w_gate)
    # eval mode: noisy gating disabled (self.training is False)
    top_k_logits, top_k_indices = jax.lax.top_k(router_logits, TOP_K)  # [B,S,k]
    # scatter top-k logits into a -inf tensor; since values are the original logits,
    # this equals masking non-top-k entries with -inf
    sel = jnp.sum(jax.nn.one_hot(top_k_indices, N_EXPERTS, dtype=jnp.float32), axis=-2) > 0  # [B,S,E]
    router_probs = jnp.where(sel, router_logits, -jnp.inf)
    router_probs = jax.nn.softmax(router_probs, axis=-1)
    capacity = _capacity(num_tokens)
    expert_mask = jax.nn.one_hot(top_k_indices.reshape(num_tokens, TOP_K), N_EXPERTS, dtype=jnp.int32)  # [T,k,E]
    expert_mask = jnp.transpose(expert_mask, (1, 0, 2))  # [k,T,E]
    expert_rank = jnp.cumsum(expert_mask.reshape(TOP_K * num_tokens, N_EXPERTS), axis=0) - 1
    expert_rank = expert_rank.reshape(TOP_K, num_tokens, N_EXPERTS)
    expert_mask = expert_mask * (expert_rank < capacity).astype(jnp.int32)
    expert_rank = jnp.sum(expert_mask * expert_rank, axis=-1)  # [k,T]
    router_probs_flat = router_probs.reshape(num_tokens, N_EXPERTS)[None, :, :]  # [1,T,E]
    expert_weights_kte = expert_mask.astype(jnp.float32) * router_probs_flat  # [k,T,E]
    rank_oh = jax.nn.one_hot(expert_rank, capacity, dtype=jnp.float32)  # [k,T,cap]
    # sum_k expert_weights[k,t,e] * rank_oh[k,t,c] -> [T,E,cap]
    expert_weights = jnp.einsum('kte,ktc->tec', expert_weights_kte, rank_oh)
    expert_mask_out = expert_weights.astype(bool)
    x_flat = x32.reshape(num_tokens, d)
    # [E,cap,T] @ [T,D] -> [E,cap,D]
    expert_batches = jnp.einsum('tec,td->ecd', expert_mask_out.astype(x32.dtype), x_flat)
    return expert_weights, expert_mask_out, expert_batches, router_logits

if __name__ == "__main__":
    import jax
    _d = setup_inputs()
    print(jax.jit(kernel)(*tuple(_d.values())))

</pallas_src>

<mosaic_0001>
#map = affine_map<(d0, d1) -> (0, 0)>
#map1 = affine_map<(d0, d1) -> (0)>
module attributes {stable_mosaic.version = 14 : i64} {
  func.func @_dispatch_body(%arg0: i32, %arg1: i32, %arg2: memref<2304x1024xf32, #tpu.memory_space<hbm>>, %arg3: memref<4096xi32, #tpu.memory_space<hbm>>, %arg4: memref<5120x1024xf32, #tpu.memory_space<hbm>>, %arg5: memref<256xi32, #tpu.memory_space<vmem>>, %arg6: memref<2x128xi32, #tpu.memory_space<vmem>>, %arg7: memref<2x128xi32, #tpu.memory_space<vmem>>, %arg8: memref<352xi32, #tpu.memory_space<vmem>>, %arg9: memref<320xi32, #tpu.memory_space<vmem>>, %arg10: memref<2x40x1024xf32, #tpu.memory_space<vmem>>, %arg11: memref<5632xi32, #tpu.memory_space<vmem_shared>>, %arg12: memref<!tpu.dma_semaphore, #tpu.memory_space<semaphore_mem>>, %arg13: memref<!tpu.dma_semaphore, #tpu.memory_space<semaphore_mem>>, %arg14: memref<!tpu.dma_semaphore, #tpu.memory_space<semaphore_mem>>, %arg15: memref<!tpu.dma_semaphore, #tpu.memory_space<semaphore_mem>>, %arg16: memref<!tpu.dma_semaphore, #tpu.memory_space<semaphore_mem>>, %arg17: memref<!tpu.dma_semaphore, #tpu.memory_space<semaphore_mem>>) attributes {dimension_semantics = [#tpu.dimension_semantics<core_parallel>, #tpu.dimension_semantics<subcore_parallel>], iteration_bounds = array<i64: 1, 16>, scalar_prefetch = 0 : i64, scratch_operands = 13 : i64, tpu.core_type = #tpu.core_type<sc_vector_subcore>, window_params = [{transform_indices = #map}, {transform_indices = #map1}, {transform_indices = #map}]} {
    %mul3A = arith.constant 16 : i32
    %mul3A_0 = arith.muli %arg0, %mul3A : i32
    %add3A = arith.addi %mul3A_0, %arg1 : i32
    %mul3A_1 = arith.constant 256 : i32
    %mul3A_2 = arith.muli %arg1, %mul3A_1 : i32
    "tpu.region"() ({
      %run_scoped3A_402 = tpu.sem_alloc : memref<!tpu.dma_semaphore, #tpu.memory_space<semaphore_mem>>
      %dma_start3A_403 = tpu.memref_slice %arg3[%mul3A_2] : memref<4096xi32, #tpu.memory_space<hbm>> -> memref<256xi32, #tpu.memory_space<hbm>>
      %dma_start3A_404 = tpu.memref_slice %arg3[%mul3A_2] : memref<4096xi32, #tpu.memory_space<hbm>> -> memref<256xi32, #tpu.memory_space<hbm>>
      tpu.enqueue_dma source(%dma_start3A_404 : memref<256xi32, #tpu.memory_space<hbm>>) target(%arg5 : memref<256xi32, #tpu.memory_space<vmem>>) target_semaphore(%run_scoped3A_402 : memref<!tpu.dma_semaphore, #tpu.memory_space<semaphore_mem>>)
      %dma_wait3A_405 = tpu.memref_slice %arg3[%mul3A_2] : memref<4096xi32, #tpu.memory_space<hbm>> -> memref<256xi32, #tpu.memory_space<hbm>>
      %dma_wait3A_406 = tpu.memref_slice %arg3[%mul3A_2] : memref<4096xi32, #tpu.memory_space<hbm>> -> memref<256xi32, #tpu.memory_space<hbm>>
      tpu.wait_dma2 semaphore(%run_scoped3A_402 : memref<!tpu.dma_semaphore, #tpu.memory_space<semaphore_mem>>) src(%dma_wait3A_406 : memref<256xi32, #tpu.memory_space<hbm>>) dst(%arg5 : memref<256xi32, #tpu.memory_space<vmem>>)
      tpu.yield
    }) : () -> ()
    %scan3A = arith.constant 0 : i32
    %scan3A_3 = arith.constant 22 : i32
    %scan3A_4 = arith.addi %scan3A, %scan3A_3 : i32
    %scan3A_5 = arith.constant 1 : i32
    scf.for %scan3A_402 = %scan3A to %scan3A_4 step %scan3A_5  : i32 {
      %broadcast_in_dim3A = arith.constant 2048 : i32
      %broadcast_in_dim3A_403 = vector.broadcast %broadcast_in_dim3A : i32 to vector<16xi32>
      %mul3A_404 = arith.constant 16 : i32
      %mul3A_405 = arith.muli %scan3A_402, %mul3A_404 : i32
      %swap3A = arith.index_cast %mul3A_405 : i32 to index
      %swap3A_406 = tpu.vector_load %arg8[%swap3A] {strides = array<i32>} : memref<352xi32, #tpu.memory_space<vmem>>, vector<16xi32>,
      tpu.vector_store %arg8[%swap3A], %broadcast_in_dim3A_403 {strides = array<i32>} : memref<352xi32, #tpu.memory_space<vmem>>, vector<16xi32>,
    }
    %scan3A_6 = arith.constant 22 : i32
    %mul3A_7 = arith.constant 352 : i32
    %mul3A_8 = arith.muli %arg1, %mul3A_7 : i32
    "tpu.region"() ({
      %run_scoped3A_402 = tpu.sem_alloc : memref<!tpu.dma_semaphore, #tpu.memory_space<semaphore_mem>>
      %dma_start3A_403 = tpu.memref_slice %arg11[%mul3A_8] : memref<5632xi32, #tpu.memory_space<vmem_shared>> -> memref<352xi32, #tpu.memory_space<vmem_shared>>
      %dma_start3A_404 = tpu.memref_slice %arg11[%mul3A_8] : memref<5632xi32, #tpu.memory_space<vmem_shared>> -> memref<352xi32, #tpu.memory_space<vmem_shared>>
      tpu.enqueue_dma source(%arg8 : memref<352xi32, #tpu.memory_space<vmem>>) target(%dma_start3A_404 : memref<352xi32, #tpu.memory_space<vmem_shared>>) target_semaphore(%run_scoped3A_402 : memref<!tpu.dma_semaphore, #tpu.memory_space<semaphore_mem>>)
      %dma_wait3A_405 = tpu.memref_slice %arg11[%mul3A_8] : memref<5632xi32, #tpu.memory_space<vmem_shared>> -> memref<352xi32, #tpu.memory_space<vmem_shared>>
      %dma_wait3A_406 = tpu.memref_slice %arg11[%mul3A_8] : memref<5632xi32, #tpu.memory_space<vmem_shared>> -> memref<352xi32, #tpu.memory_space<vmem_shared>>
      tpu.wait_dma2 semaphore(%run_scoped3A_402 : memref<!tpu.dma_semaphore, #tpu.memory_space<semaphore_mem>>) src(%arg8 : memref<352xi32, #tpu.memory_space<vmem>>) dst(%dma_wait3A_406 : memref<352xi32, #tpu.memory_space<vmem_shared>>)
      tpu.yield
    }) : () -> ()
    %scan3A_9 = arith.constant 0 : i32
    %scan3A_10 = arith.constant 16 : i32
    %scan3A_11 = arith.addi %scan3A_9, %scan3A_10 : i32
    %scan3A_12 = arith.constant 1 : i32
    scf.for %scan3A_402 = %scan3A_9 to %scan3A_11 step %scan3A_12  : i32 {
      %mul3A_403 = arith.constant 256 : i32
      %mul3A_404 = arith.muli %arg1, %mul3A_403 : i32
      %mul3A_405 = arith.constant 16 : i32
      %mul3A_406 = arith.muli %scan3A_402, %mul3A_405 : i32
      %add3A_407 = arith.addi %mul3A_404, %mul3A_406 : i32
      %mul3A_408 = arith.constant 16 : i32
      %mul3A_409 = arith.muli %scan3A_402, %mul3A_408 : i32
      %get3A = arith.index_cast %mul3A_409 : i32 to index
      %get3A_410 = tpu.vector_load %arg5[%get3A] {strides = array<i32>} : memref<256xi32, #tpu.memory_space<vmem>>, vector<16xi32>,
      %ge3A = arith.constant 2048 : i32
      %ge3A_411 = arith.cmpi sge, %add3A_407, %ge3A : i32
      %sub3A = arith.constant 2048 : i32
      %sub3A_412 = arith.subi %add3A_407, %sub3A : i32
      %select_n3A = arith.select %ge3A_411, %sub3A_412, %add3A_407 : i32
      %iota3A = tpu.iota {dimensions = array<i32: 0>} : vector<16xi32>
      %add3A_413 = vector.broadcast %select_n3A : i32 to vector<16xi32>
      %add3A_414 = arith.addi %iota3A, %add3A_413 : vector<16xi32>
      %jit3A = arith.constant 8 : i32
      %div3A = arith.divsi %scan3A_402, %jit3A : i32
      %sign3A = arith.constant 0 : i32
      %sign3A_415 = arith.cmpi sgt, %scan3A_402, %sign3A : i32
      %sign3A_416 = arith.extui %sign3A_415 : i1 to i32
      %sign3A_417 = arith.constant 0 : i32
      %sign3A_418 = arith.cmpi slt, %scan3A_402, %sign3A_417 : i32
      %sign3A_419 = arith.extui %sign3A_418 : i1 to i32
      %sign3A_420 = arith.subi %sign3A_416, %sign3A_419 : i32
      %sign3A_421 = arith.constant 0 : i32
      %sign3A_422 = arith.cmpi sgt, %jit3A, %sign3A_421 : i32
      %sign3A_423 = arith.extui %sign3A_422 : i1 to i32
      %sign3A_424 = arith.constant 0 : i32
      %sign3A_425 = arith.cmpi slt, %jit3A, %sign3A_424 : i32
      %sign3A_426 = arith.extui %sign3A_425 : i1 to i32
      %sign3A_427 = arith.subi %sign3A_423, %sign3A_426 : i32
      %ne3A = arith.cmpi ne, %sign3A_420, %sign3A_427 : i32
      %rem3A = arith.remsi %scan3A_402, %jit3A : i32
      %ne3A_428 = arith.constant 0 : i32
      %ne3A_429 = arith.cmpi ne, %rem3A, %ne3A_428 : i32
      %and3A = arith.andi %ne3A, %ne3A_429 : i1
      %sub3A_430 = arith.constant 1 : i32
      %sub3A_431 = arith.subi %div3A, %sub3A_430 : i32
      %select_n3A_432 = arith.select %and3A, %sub3A_431, %div3A : i32
      %jit3A_433 = arith.constant 8 : i32
      %eq3A = arith.constant 0 : i32
      %eq3A_434 = arith.cmpi eq, %jit3A_433, %eq3A : i32
      %jit3A_435 = arith.constant 1 : i32
      %select_n3A_436 = arith.select %eq3A_434, %jit3A_435, %jit3A_433 : i32
      %rem3A_437 = arith.remsi %scan3A_402, %select_n3A_436 : i32
      %ne3A_438 = arith.constant 0 : i32
      %ne3A_439 = arith.cmpi ne, %rem3A_437, %ne3A_438 : i32
      %lt3A = arith.constant 0 : i32
      %lt3A_440 = arith.cmpi slt, %rem3A_437, %lt3A : i32
      %lt3A_441 = arith.constant 0 : i32
      %lt3A_442 = arith.cmpi slt, %select_n3A_436, %lt3A_441 : i32
      %ne3A_443 = arith.xori %lt3A_440, %lt3A_442 : i1
      %and3A_444 = arith.andi %ne3A_443, %ne3A_439 : i1
      %add3A_445 = arith.addi %rem3A_437, %select_n3A_436 : i32
      %select_n3A_446 = arith.select %and3A_444, %add3A_445, %rem3A_437 : i32
      %mul3A_447 = arith.constant 16 : i32
      %mul3A_448 = arith.muli %select_n3A_446, %mul3A_447 : i32
      %ge3A_449 = arith.constant 0 : i32
      %ge3A_450 = vector.broadcast %ge3A_449 : i32 to vector<16xi32>
      %ge3A_451 = arith.cmpi sge, %get3A_410, %ge3A_450 : vector<16xi32>
      %jit3A_452 = arith.constant 5120 : i32
      %broadcast_in_dim3A = vector.broadcast %jit3A_452 : i32 to vector<16xi32>
      %select_n3A_453 = arith.select %ge3A_451, %get3A_410, %broadcast_in_dim3A : vector<16xi1>, vector<16xi32>
      %swap3A = arith.index_cast %select_n3A_432 : i32 to index
      %swap3A_454 = arith.index_cast %mul3A_448 : i32 to index
      %swap3A_455 = tpu.vector_load %arg6[%swap3A, %swap3A_454] {strides = array<i32>} : memref<2x128xi32, #tpu.memory_space<vmem>>, vector<16xi32>,
      tpu.vector_store %arg6[%swap3A, %swap3A_454], %select_n3A_453 {strides = array<i32>} : memref<2x128xi32, #tpu.memory_space<vmem>>, vector<16xi32>,
      %swap3A_456 = arith.index_cast %select_n3A_432 : i32 to index
      %swap3A_457 = arith.index_cast %mul3A_448 : i32 to index
      %swap3A_458 = tpu.vector_load %arg7[%swap3A_456, %swap3A_457] {strides = array<i32>} : memref<2x128xi32, #tpu.memory_space<vmem>>, vector<16xi32>,
      tpu.vector_store %arg7[%swap3A_456, %swap3A_457], %add3A_414 {strides = array<i32>} : memref<2x128xi32, #tpu.memory_space<vmem>>, vector<16xi32>,
    }
    %scan3A_13 = arith.constant 16 : i32
    %barrier3A = arith.constant 0 : index
    tpu.barrier barrier_id(%barrier3A)
    %run_scoped3A = arith.constant 0 : i32
    %run_scoped3A_14 = arith.constant 0 : i32
    "tpu.region"() ({
      %run_scoped3A_402 = tpu.sem_alloc : memref<!tpu.dma_semaphore, #tpu.memory_space<semaphore_mem>>
      %dma_start3A_403 = arith.constant 0 : i32
      %dma_start3A_404 = tpu.memref_slice %arg7[%run_scoped3A, %dma_start3A_403] : memref<2x128xi32, #tpu.memory_space<vmem>> -> memref<1x128xi32, #tpu.memory_space<vmem>>
      %dma_start3A_405 = tpu.memref_squeeze %dma_start3A_404 : memref<1x128xi32, #tpu.memory_space<vmem>> -> memref<128xi32, #tpu.memory_space<vmem>>
      %dma_start3A_406 = arith.constant 0 : i32
      %dma_start3A_407 = tpu.memref_slice %arg6[%run_scoped3A_14, %dma_start3A_406] : memref<2x128xi32, #tpu.memory_space<vmem>> -> memref<1x128xi32, #tpu.memory_space<vmem>>
      %dma_start3A_408 = tpu.memref_squeeze %dma_start3A_407 : memref<1x128xi32, #tpu.memory_space<vmem>> -> memref<128xi32, #tpu.memory_space<vmem>>
      %dma_start3A_409 = arith.constant 0 : i32
      %dma_start3A_410 = tpu.memref_slice %arg11[%dma_start3A_409] : memref<5632xi32, #tpu.memory_space<vmem_shared>> -> memref<5632xi32, #tpu.memory_space<vmem_shared>>
      tpu.enqueue_indirect_dma source(%dma_start3A_405 : memref<128xi32, #tpu.memory_space<vmem>>) target(%dma_start3A_410 : memref<5632xi32, #tpu.memory_space<vmem_shared>>) offsets(%dma_start3A_408 : memref<128xi32, #tpu.memory_space<vmem>>) semaphore(%run_scoped3A_402 : memref<!tpu.dma_semaphore, #tpu.memory_space<semaphore_mem>>)
      %dma_wait3A_411 = arith.constant 0 : i32
      %dma_wait3A_412 = tpu.memref_slice %arg7[%run_scoped3A, %dma_wait3A_411] : memref<2x128xi32, #tpu.memory_space<vmem>> -> memref<1x128xi32, #tpu.memory_space<vmem>>
      %dma_wait3A_413 = tpu.memref_squeeze %dma_wait3A_412 : memref<1x128xi32, #tpu.memory_space<vmem>> -> memref<128xi32, #tpu.memory_space<vmem>>
      %dma_wait3A_414 = arith.constant 0 : i32
      %dma_wait3A_415 = tpu.memref_slice %arg6[%run_scoped3A_14, %dma_wait3A_414] : memref<2x128xi32, #tpu.memory_space<vmem>> -> memref<1x128xi32, #tpu.memory_space<vmem>>
      %dma_wait3A_416 = tpu.memref_squeeze %dma_wait3A_415 : memref<1x128xi32, #tpu.memory_space<vmem>> -> memref<128xi32, #tpu.memory_space<vmem>>
      %dma_wait3A_417 = arith.constant 0 : i32
      %dma_wait3A_418 = tpu.memref_slice %arg11[%dma_wait3A_417] : memref<5632xi32, #tpu.memory_space<vmem_shared>> -> memref<5632xi32, #tpu.memory_space<vmem_shared>>
      tpu.wait_indirect_dma semaphore(%run_scoped3A_402 : memref<!tpu.dma_semaphore, #tpu.memory_space<semaphore_mem>>) src(%dma_wait3A_413 : memref<128xi32, #tpu.memory_space<vmem>>) dst(%dma_wait3A_418 : memref<5632xi32, #tpu.memory_space<vmem_shared>>)
      tpu.yield
    }) : () -> ()
    %run_scoped3A_15 = arith.constant 1 : i32
    %run_scoped3A_16 = arith.constant 1 : i32
    "tpu.region"() ({
      %run_scoped3A_402 = tpu.sem_alloc : memref<!tpu.dma_semaphore, #tpu.memory_space<semaphore_mem>>
      %dma_start3A_403 = arith.constant 0 : i32
      %dma_start3A_404 = tpu.memref_slice %arg7[%run_scoped3A_15, %dma_start3A_403] : memref<2x128xi32, #tpu.memory_space<vmem>> -> memref<1x128xi32, #tpu.memory_space<vmem>>
      %dma_start3A_405 = tpu.memref_squeeze %dma_start3A_404 : memref<1x128xi32, #tpu.memory_space<vmem>> -> memref<128xi32, #tpu.memory_space<vmem>>
      %dma_start3A_406 = arith.constant 0 : i32
      %dma_start3A_407 = tpu.memref_slice %arg6[%run_scoped3A_16, %dma_start3A_406] : memref<2x128xi32, #tpu.memory_space<vmem>> -> memref<1x128xi32, #tpu.memory_space<vmem>>
      %dma_start3A_408 = tpu.memref_squeeze %dma_start3A_407 : memref<1x128xi32, #tpu.memory_space<vmem>> -> memref<128xi32, #tpu.memory_space<vmem>>
      %dma_start3A_409 = arith.constant 0 : i32
      %dma_start3A_410 = tpu.memref_slice %arg11[%dma_start3A_409] : memref<5632xi32, #tpu.memory_space<vmem_shared>> -> memref<5632xi32, #tpu.memory_space<vmem_shared>>
      tpu.enqueue_indirect_dma source(%dma_start3A_405 : memref<128xi32, #tpu.memory_space<vmem>>) target(%dma_start3A_410 : memref<5632xi32, #tpu.memory_space<vmem_shared>>) offsets(%dma_start3A_408 : memref<128xi32, #tpu.memory_space<vmem>>) semaphore(%run_scoped3A_402 : memref<!tpu.dma_semaphore, #tpu.memory_space<semaphore_mem>>)
      %dma_wait3A_411 = arith.constant 0 : i32
      %dma_wait3A_412 = tpu.memref_slice %arg7[%run_scoped3A_15, %dma_wait3A_411] : memref<2x128xi32, #tpu.memory_space<vmem>> -> memref<1x128xi32, #tpu.memory_space<vmem>>
      %dma_wait3A_413 = tpu.memref_squeeze %dma_wait3A_412 : memref<1x128xi32, #tpu.memory_space<vmem>> -> memref<128xi32, #tpu.memory_space<vmem>>
      %dma_wait3A_414 = arith.constant 0 : i32
      %dma_wait3A_415 = tpu.memref_slice %arg6[%run_scoped3A_16, %dma_wait3A_414] : memref<2x128xi32, #tpu.memory_space<vmem>> -> memref<1x128xi32, #tpu.memory_space<vmem>>
      %dma_wait3A_416 = tpu.memref_squeeze %dma_wait3A_415 : memref<1x128xi32, #tpu.memory_space<vmem>> -> memref<128xi32, #tpu.memory_space<vmem>>
      %dma_wait3A_417 = arith.constant 0 : i32
      %dma_wait3A_418 = tpu.memref_slice %arg11[%dma_wait3A_417] : memref<5632xi32, #tpu.memory_space<vmem_shared>> -> memref<5632xi32, #tpu.memory_space<vmem_shared>>
      tpu.wait_indirect_dma semaphore(%run_scoped3A_402 : memref<!tpu.dma_semaphore, #tpu.memory_space<semaphore_mem>>) src(%dma_wait3A_413 : memref<128xi32, #tpu.memory_space<vmem>>) dst(%dma_wait3A_418 : memref<5632xi32, #tpu.memory_space<vmem_shared>>)
      tpu.yield
    }) : () -> ()
    %barrier3A_17 = arith.constant 0 : index
    tpu.barrier barrier_id(%barrier3A_17)
    %mul3A_18 = arith.constant 320 : i32
    %mul3A_19 = arith.muli %add3A, %mul3A_18 : i32
    "tpu.region"() ({
      %run_scoped3A_402 = tpu.sem_alloc : memref<!tpu.dma_semaphore, #tpu.memory_space<semaphore_mem>>
      %dma_start3A_403 = tpu.memref_slice %arg11[%mul3A_19] : memref<5632xi32, #tpu.memory_space<vmem_shared>> -> memref<320xi32, #tpu.memory_space<vmem_shared>>
      %dma_start3A_404 = tpu.memref_slice %arg11[%mul3A_19] : memref<5632xi32, #tpu.memory_space<vmem_shared>> -> memref<320xi32, #tpu.memory_space<vmem_shared>>
      tpu.enqueue_dma source(%dma_start3A_404 : memref<320xi32, #tpu.memory_space<vmem_shared>>) target(%arg9 : memref<320xi32, #tpu.memory_space<vmem>>) target_semaphore(%run_scoped3A_402 : memref<!tpu.dma_semaphore, #tpu.memory_space<semaphore_mem>>)
      %dma_wait3A_405 = tpu.memref_slice %arg11[%mul3A_19] : memref<5632xi32, #tpu.memory_space<vmem_shared>> -> memref<320xi32, #tpu.memory_space<vmem_shared>>
      %dma_wait3A_406 = tpu.memref_slice %arg11[%mul3A_19] : memref<5632xi32, #tpu.memory_space<vmem_shared>> -> memref<320xi32, #tpu.memory_space<vmem_shared>>
      tpu.wait_dma2 semaphore(%run_scoped3A_402 : memref<!tpu.dma_semaphore, #tpu.memory_space<semaphore_mem>>) src(%dma_wait3A_406 : memref<320xi32, #tpu.memory_space<vmem_shared>>) dst(%arg9 : memref<320xi32, #tpu.memory_space<vmem>>)
      tpu.yield
    }) : () -> ()
    %dma_start3A = arith.constant 0 : i32
    %dma_start3A_20 = arith.constant 0 : i32
    %dma_start3A_21 = arith.constant 0 : i32
    %dma_start3A_22 = tpu.memref_slice %arg10[%dma_start3A, %dma_start3A_20, %dma_start3A_21] : memref<2x40x1024xf32, #tpu.memory_space<vmem>> -> memref<1x40x1024xf32, #tpu.memory_space<vmem>>
    %dma_start3A_23 = tpu.memref_squeeze %dma_start3A_22 : memref<1x40x1024xf32, #tpu.memory_space<vmem>> -> memref<40x1024xf32, #tpu.memory_space<vmem>>
    %dma_start3A_24 = arith.constant 0 : i32
    %dma_start3A_25 = tpu.memref_slice %arg9[%dma_start3A_24] : memref<320xi32, #tpu.memory_space<vmem>> -> memref<40xi32, #tpu.memory_space<vmem>>
    %dma_start3A_26 = arith.constant 0 : i32
    %dma_start3A_27 = arith.constant 0 : i32
    %dma_start3A_28 = tpu.memref_slice %arg2[%dma_start3A_26, %dma_start3A_27] : memref<2304x1024xf32, #tpu.memory_space<hbm>> -> memref<2304x1024xf32, #tpu.memory_space<hbm>>
    tpu.enqueue_indirect_dma source(%dma_start3A_28 : memref<2304x1024xf32, #tpu.memory_space<hbm>>) target(%dma_start3A_23 : memref<40x1024xf32, #tpu.memory_space<vmem>>) offsets(%dma_start3A_25 : memref<40xi32, #tpu.memory_space<vmem>>) semaphore(%arg12 : memref<!tpu.dma_semaphore, #tpu.memory_space<semaphore_mem>>)
    %dma_start3A_29 = arith.constant 1 : i32
    %dma_start3A_30 = arith.constant 0 : i32
    %dma_start3A_31 = arith.constant 0 : i32
    %dma_start3A_32 = tpu.memref_slice %arg10[%dma_start3A_29, %dma_start3A_30, %dma_start3A_31] : memref<2x40x1024xf32, #tpu.memory_space<vmem>> -> memref<1x40x1024xf32, #tpu.memory_space<vmem>>
    %dma_start3A_33 = tpu.memref_squeeze %dma_start3A_32 : memref<1x40x1024xf32, #tpu.memory_space<vmem>> -> memref<40x1024xf32, #tpu.memory_space<vmem>>
    %dma_start3A_34 = arith.constant 40 : i32
    %dma_start3A_35 = tpu.memref_slice %arg9[%dma_start3A_34] : memref<320xi32, #tpu.memory_space<vmem>> -> memref<40xi32, #tpu.memory_space<vmem>>
    %dma_start3A_36 = arith.constant 0 : i32
    %dma_start3A_37 = arith.constant 0 : i32
    %dma_start3A_38 = tpu.memref_slice %arg2[%dma_start3A_36, %dma_start3A_37] : memref<2304x1024xf32, #tpu.memory_space<hbm>> -> memref<2304x1024xf32, #tpu.memory_space<hbm>>
    tpu.enqueue_indirect_dma source(%dma_start3A_38 : memref<2304x1024xf32, #tpu.memory_space<hbm>>) target(%dma_start3A_33 : memref<40x1024xf32, #tpu.memory_space<vmem>>) offsets(%dma_start3A_35 : memref<40xi32, #tpu.memory_space<vmem>>) semaphore(%arg13 : memref<!tpu.dma_semaphore, #tpu.memory_space<semaphore_mem>>)
    %dma_wait3A = arith.constant 0 : i32
    %dma_wait3A_39 = arith.constant 0 : i32
    %dma_wait3A_40 = arith.constant 0 : i32
    %dma_wait3A_41 = tpu.memref_slice %arg10[%dma_wait3A, %dma_wait3A_39, %dma_wait3A_40] : memref<2x40x1024xf32, #tpu.memory_space<vmem>> -> memref<1x40x1024xf32, #tpu.memory_space<vmem>>
    %dma_wait3A_42 = tpu.memref_squeeze %dma_wait3A_41 : memref<1x40x1024xf32, #tpu.memory_space<vmem>> -> memref<40x1024xf32, #tpu.memory_space<vmem>>
    %dma_wait3A_43 = arith.constant 0 : i32
    %dma_wait3A_44 = tpu.memref_slice %arg9[%dma_wait3A_43] : memref<320xi32, #tpu.memory_space<vmem>> -> memref<40xi32, #tpu.memory_space<vmem>>
    %dma_wait3A_45 = arith.constant 0 : i32
    %dma_wait3A_46 = arith.constant 0 : i32
    %dma_wait3A_47 = tpu.memref_slice %arg2[%dma_wait3A_45, %dma_wait3A_46] : memref<2304x1024xf32, #tpu.memory_space<hbm>> -> memref<2304x1024xf32, #tpu.memory_space<hbm>>
    tpu.wait_indirect_dma semaphore(%arg12 : memref<!tpu.dma_semaphore, #tpu.memory_space<semaphore_mem>>) src(%dma_wait3A_47 : memref<2304x1024xf32, #tpu.memory_space<hbm>>) dst(%dma_wait3A_42 : memref<40x1024xf32, #tpu.memory_space<vmem>>)
    %add3A_48 = arith.constant 0 : i32
    %add3A_49 = arith.addi %mul3A_19, %add3A_48 : i32
    %dma_start3A_50 = arith.constant 0 : i32
    %dma_start3A_51 = arith.constant 0 : i32
    %dma_start3A_52 = arith.constant 0 : i32
    %dma_start3A_53 = tpu.memref_slice %arg10[%dma_start3A_50, %dma_start3A_51, %dma_start3A_52] : memref<2x40x1024xf32, #tpu.memory_space<vmem>> -> memref<1x40x1024xf32, #tpu.memory_space<vmem>>
    %dma_start3A_54 = tpu.memref_squeeze %dma_start3A_53 : memref<1x40x1024xf32, #tpu.memory_space<vmem>> -> memref<40x1024xf32, #tpu.memory_space<vmem>>
    %dma_start3A_55 = arith.constant 0 : i32
    %dma_start3A_56 = tpu.memref_slice %arg4[%add3A_49, %dma_start3A_55] : memref<5120x1024xf32, #tpu.memory_space<hbm>> -> memref<40x1024xf32, #tpu.memory_space<hbm>>
    %dma_start3A_57 = arith.constant 0 : i32
    %dma_start3A_58 = tpu.memref_slice %arg4[%add3A_49, %dma_start3A_57] : memref<5120x1024xf32, #tpu.memory_space<hbm>> -> memref<40x1024xf32, #tpu.memory_space<hbm>>
    %dma_start3A_59 = arith.constant 0 : i32
    %dma_start3A_60 = arith.constant 0 : i32
    %dma_start3A_61 = tpu.memref_slice %arg10[%dma_start3A_50, %dma_start3A_59, %dma_start3A_60] : memref<2x40x1024xf32, #tpu.memory_space<vmem>> -> memref<1x40x1024xf32, #tpu.memory_space<vmem>>
    %dma_start3A_62 = tpu.memref_squeeze %dma_start3A_61 : memref<1x40x1024xf32, #tpu.memory_space<vmem>> -> memref<40x1024xf32, #tpu.memory_space<vmem>>
    tpu.enqueue_dma source(%dma_start3A_62 : memref<40x1024xf32, #tpu.memory_space<vmem>>) target(%dma_start3A_58 : memref<40x1024xf32, #tpu.memory_space<hbm>>) target_semaphore(%arg15 : memref<!tpu.dma_semaphore, #tpu.memory_space<semaphore_mem>>)
    %dma_wait3A_63 = arith.constant 0 : i32
    %dma_wait3A_64 = arith.constant 0 : i32
    %dma_wait3A_65 = arith.constant 0 : i32
    %dma_wait3A_66 = tpu.memref_slice %arg10[%dma_wait3A_63, %dma_wait3A_64, %dma_wait3A_65] : memref<2x40x1024xf32, #tpu.memory_space<vmem>> -> memref<1x40x1024xf32, #tpu.memory_space<vmem>>
    %dma_wait3A_67 = tpu.memref_squeeze %dma_wait3A_66 : memref<1x40x1024xf32, #tpu.memory_space<vmem>> -> memref<40x1024xf32, #tpu.memory_space<vmem>>
    %dma_wait3A_68 = arith.constant 0 : i32
    %dma_wait3A_69 = tpu.memref_slice %arg4[%add3A_49, %dma_wait3A_68] : memref<5120x1024xf32, #tpu.memory_space<hbm>> -> memref<40x1024xf32, #tpu.memory_space<hbm>>
    %dma_wait3A_70 = arith.constant 0 : i32
    %dma_wait3A_71 = tpu.memref_slice %arg4[%add3A_49, %dma_wait3A_70] : memref<5120x1024xf32, #tpu.memory_space<hbm>> -> memref<40x1024xf32, #tpu.memory_space<hbm>>
    %dma_wait3A_72 = arith.constant 0 : i32
    %dma_wait3A_73 = arith.constant 0 : i32
    %dma_wait3A_74 = tpu.memref_slice %arg10[%dma_wait3A_63, %dma_wait3A_72, %dma_wait3A_73] : memref<2x40x1024xf32, #tpu.memory_space<vmem>> -> memref<1x40x1024xf32, #tpu.memory_space<vmem>>
    %dma_wait3A_75 = tpu.memref_squeeze %dma_wait3A_74 : memref<1x40x1024xf32, #tpu.memory_space<vmem>> -> memref<40x1024xf32, #tpu.memory_space<vmem>>
    tpu.wait_dma2 semaphore(%arg15 : memref<!tpu.dma_semaphore, #tpu.memory_space<semaphore_mem>>) src(%dma_wait3A_75 : memref<40x1024xf32, #tpu.memory_space<vmem>>) dst(%dma_wait3A_71 : memref<40x1024xf32, #tpu.memory_space<hbm>>)
    %dma_start3A_76 = arith.constant 0 : i32
    %dma_start3A_77 = arith.constant 0 : i32
    %dma_start3A_78 = arith.constant 0 : i32
    %dma_start3A_79 = tpu.memref_slice %arg10[%dma_start3A_76, %dma_start3A_77, %dma_start3A_78] : memref<2x40x1024xf32, #tpu.memory_space<vmem>> -> memref<1x40x1024xf32, #tpu.memory_space<vmem>>
    %dma_start3A_80 = tpu.memref_squeeze %dma_start3A_79 : memref<1x40x1024xf32, #tpu.memory_space<vmem>> -> memref<40x1024xf32, #tpu.memory_space<vmem>>
    %dma_start3A_81 = arith.constant 80 : i32
    %dma_start3A_82 = tpu.memref_slice %arg9[%dma_start3A_81] : memref<320xi32, #tpu.memory_space<vmem>> -> memref<40xi32, #tpu.memory_space<vmem>>
    %dma_start3A_83 = arith.constant 0 : i32
    %dma_start3A_84 = arith.constant 0 : i32
    %dma_start3A_85 = tpu.memref_slice %arg2[%dma_start3A_83, %dma_start3A_84] : memref<2304x1024xf32, #tpu.memory_space<hbm>> -> memref<2304x1024xf32, #tpu.memory_space<hbm>>
    tpu.enqueue_indirect_dma source(%dma_start3A_85 : memref<2304x1024xf32, #tpu.memory_space<hbm>>) target(%dma_start3A_80 : memref<40x1024xf32, #tpu.memory_space<vmem>>) offsets(%dma_start3A_82 : memref<40xi32, #tpu.memory_space<vmem>>) semaphore(%arg12 : memref<!tpu.dma_semaphore, #tpu.memory_space<semaphore_mem>>)
    %dma_wait3A_86 = arith.constant 1 : i32
    %dma_wait3A_87 = arith.constant 0 : i32
    %dma_wait3A_88 = arith.constant 0 : i32
    %dma_wait3A_89 = tpu.memref_slice %arg10[%dma_wait3A_86, %dma_wait3A_87, %dma_wait3A_88] : memref<2x40x1024xf32, #tpu.memory_space<vmem>> -> memref<1x40x1024xf32, #tpu.memory_space<vmem>>
    %dma_wait3A_90 = tpu.memref_squeeze %dma_wait3A_89 : memref<1x40x1024xf32, #tpu.memory_space<vmem>> -> memref<40x1024xf32, #tpu.memory_space<vmem>>
    %dma_wait3A_91 = arith.constant 40 : i32
    %dma_wait3A_92 = tpu.memref_slice %arg9[%dma_wait3A_91] : memref<320xi32, #tpu.memory_space<vmem>> -> memref<40xi32, #tpu.memory_space<vmem>>
    %dma_wait3A_93 = arith.constant 0 : i32
    %dma_wait3A_94 = arith.constant 0 : i32
    %dma_wait3A_95 = tpu.memref_slice %arg2[%dma_wait3A_93, %dma_wait3A_94] : memref<2304x1024xf32, #tpu.memory_space<hbm>> -> memref<2304x1024xf32, #tpu.memory_space<hbm>>
    tpu.wait_indirect_dma semaphore(%arg13 : memref<!tpu.dma_semaphore, #tpu.memory_space<semaphore_mem>>) src(%dma_wait3A_95 : memref<2304x1024xf32, #tpu.memory_space<hbm>>) dst(%dma_wait3A_90 : memref<40x1024xf32, #tpu.memory_space<vmem>>)
    %add3A_96 = arith.constant 40 : i32
    %add3A_97 = arith.addi %mul3A_19, %add3A_96 : i32
    %dma_start3A_98 = arith.constant 1 : i32
    %dma_start3A_99 = arith.constant 0 : i32
    %dma_start3A_100 = arith.constant 0 : i32
    %dma_start3A_101 = tpu.memref_slice %arg10[%dma_start3A_98, %dma_start3A_99, %dma_start3A_100] : memref<2x40x1024xf32, #tpu.memory_space<vmem>> -> memref<1x40x1024xf32, #tpu.memory_space<vmem>>
    %dma_start3A_102 = tpu.memref_squeeze %dma_start3A_101 : memref<1x40x1024xf32, #tpu.memory_space<vmem>> -> memref<40x1024xf32, #tpu.memory_space<vmem>>
    %dma_start3A_103 = arith.constant 0 : i32
    %dma_start3A_104 = tpu.memref_slice %arg4[%add3A_97, %dma_start3A_103] : memref<5120x1024xf32, #tpu.memory_space<hbm>> -> memref<40x1024xf32, #tpu.memory_space<hbm>>
    %dma_start3A_105 = arith.constant 0 : i32
    %dma_start3A_106 = tpu.memref_slice %arg4[%add3A_97, %dma_start3A_105] : memref<5120x1024xf32, #tpu.memory_space<hbm>> -> memref<40x1024xf32, #tpu.memory_space<hbm>>
    %dma_start3A_107 = arith.constant 0 : i32
    %dma_start3A_108 = arith.constant 0 : i32
    %dma_start3A_109 = tpu.memref_slice %arg10[%dma_start3A_98, %dma_start3A_107, %dma_start3A_108] : memref<2x40x1024xf32, #tpu.memory_space<vmem>> -> memref<1x40x1024xf32, #tpu.memory_space<vmem>>
    %dma_start3A_110 = tpu.memref_squeeze %dma_start3A_109 : memref<1x40x1024xf32, #tpu.memory_space<vmem>> -> memref<40x1024xf32, #tpu.memory_space<vmem>>
    tpu.enqueue_dma source(%dma_start3A_110 : memref<40x1024xf32, #tpu.memory_space<vmem>>) target(%dma_start3A_106 : memref<40x1024xf32, #tpu.memory_space<hbm>>) target_semaphore(%arg16 : memref<!tpu.dma_semaphore, #tpu.memory_space<semaphore_mem>>)
    %dma_wait3A_111 = arith.constant 1 : i32
    %dma_wait3A_112 = arith.constant 0 : i32
    %dma_wait3A_113 = arith.constant 0 : i32
    %dma_wait3A_114 = tpu.memref_slice %arg10[%dma_wait3A_111, %dma_wait3A_112, %dma_wait3A_113] : memref<2x40x1024xf32, #tpu.memory_space<vmem>> -> memref<1x40x1024xf32, #tpu.memory_space<vmem>>
    %dma_wait3A_115 = tpu.memref_squeeze %dma_wait3A_114 : memref<1x40x1024xf32, #tpu.memory_space<vmem>> -> memref<40x1024xf32, #tpu.memory_space<vmem>>
    %dma_wait3A_116 = arith.constant 0 : i32
    %dma_wait3A_117 = tpu.memref_slice %arg4[%add3A_97, %dma_wait3A_116] : memref<5120x1024xf32, #tpu.memory_space<hbm>> -> memref<40x1024xf32, #tpu.memory_space<hbm>>
    %dma_wait3A_118 = arith.constant 0 : i32
    %dma_wait3A_119 = tpu.memref_slice %arg4[%add3A_97, %dma_wait3A_118] : memref<5120x1024xf32, #tpu.memory_space<hbm>> -> memref<40x1024xf32, #tpu.memory_space<hbm>>
    %dma_wait3A_120 = arith.constant 0 : i32
    %dma_wait3A_121 = arith.constant 0 : i32
    %dma_wait3A_122 = tpu.memref_slice %arg10[%dma_wait3A_111, %dma_wait3A_120, %dma_wait3A_121] : memref<2x40x1024xf32, #tpu.memory_space<vmem>> -> memref<1x40x1024xf32, #tpu.memory_space<vmem>>
    %dma_wait3A_123 = tpu.memref_squeeze %dma_wait3A_122 : memref<1x40x1024xf32, #tpu.memory_space<vmem>> -> memref<40x1024xf32, #tpu.memory_space<vmem>>
    tpu.wait_dma2 semaphore(%arg16 : memref<!tpu.dma_semaphore, #tpu.memory_space<semaphore_mem>>) src(%dma_wait3A_123 : memref<40x1024xf32, #tpu.memory_space<vmem>>) dst(%dma_wait3A_119 : memref<40x1024xf32, #tpu.memory_space<hbm>>)
    %dma_start3A_124 = arith.constant 1 : i32
    %dma_start3A_125 = arith.constant 0 : i32
    %dma_start3A_126 = arith.constant 0 : i32
    %dma_start3A_127 = tpu.memref_slice %arg10[%dma_start3A_124, %dma_start3A_125, %dma_start3A_126] : memref<2x40x1024xf32, #tpu.memory_space<vmem>> -> memref<1x40x1024xf32, #tpu.memory_space<vmem>>
    %dma_start3A_128 = tpu.memref_squeeze %dma_start3A_127 : memref<1x40x1024xf32, #tpu.memory_space<vmem>> -> memref<40x1024xf32, #tpu.memory_space<vmem>>
    %dma_start3A_129 = arith.constant 120 : i32
    %dma_start3A_130 = tpu.memref_slice %arg9[%dma_start3A_129] : memref<320xi32, #tpu.memory_space<vmem>> -> memref<40xi32, #tpu.memory_space<vmem>>
    %dma_start3A_131 = arith.constant 0 : i32
    %dma_start3A_132 = arith.constant 0 : i32
    %dma_start3A_133 = tpu.memref_slice %arg2[%dma_start3A_131, %dma_start3A_132] : memref<2304x1024xf32, #tpu.memory_space<hbm>> -> memref<2304x1024xf32, #tpu.memory_space<hbm>>
    tpu.enqueue_indirect_dma source(%dma_start3A_133 : memref<2304x1024xf32, #tpu.memory_space<hbm>>) target(%dma_start3A_128 : memref<40x1024xf32, #tpu.memory_space<vmem>>) offsets(%dma_start3A_130 : memref<40xi32, #tpu.memory_space<vmem>>) semaphore(%arg13 : memref<!tpu.dma_semaphore, #tpu.memory_space<semaphore_mem>>)
    %dma_wait3A_134 = arith.constant 0 : i32
    %dma_wait3A_135 = arith.constant 0 : i32
    %dma_wait3A_136 = arith.constant 0 : i32
    %dma_wait3A_137 = tpu.memref_slice %arg10[%dma_wait3A_134, %dma_wait3A_135, %dma_wait3A_136] : memref<2x40x1024xf32, #tpu.memory_space<vmem>> -> memref<1x40x1024xf32, #tpu.memory_space<vmem>>
    %dma_wait3A_138 = tpu.memref_squeeze %dma_wait3A_137 : memref<1x40x1024xf32, #tpu.memory_space<vmem>> -> memref<40x1024xf32, #tpu.memory_space<vmem>>
    %dma_wait3A_139 = arith.constant 80 : i32
    %dma_wait3A_140 = tpu.memref_slice %arg9[%dma_wait3A_139] : memref<320xi32, #tpu.memory_space<vmem>> -> memref<40xi32, #tpu.memory_space<vmem>>
    %dma_wait3A_141 = arith.constant 0 : i32
    %dma_wait3A_142 = arith.constant 0 : i32
    %dma_wait3A_143 = tpu.memref_slice %arg2[%dma_wait3A_141, %dma_wait3A_142] : memref<2304x1024xf32, #tpu.memory_space<hbm>> -> memref<2304x1024xf32, #tpu.memory_space<hbm>>
    tpu.wait_indirect_dma semaphore(%arg12 : memref<!tpu.dma_semaphore, #tpu.memory_space<semaphore_mem>>) src(%dma_wait3A_143 : memref<2304x1024xf32, #tpu.memory_space<hbm>>) dst(%dma_wait3A_138 : memref<40x1024xf32, #tpu.memory_space<vmem>>)
    %add3A_144 = arith.constant 80 : i32
    %add3A_145 = arith.addi %mul3A_19, %add3A_144 : i32
    %dma_start3A_146 = arith.constant 0 : i32
    %dma_start3A_147 = arith.constant 0 : i32
    %dma_start3A_148 = arith.constant 0 : i32
    %dma_start3A_149 = tpu.memref_slice %arg10[%dma_start3A_146, %dma_start3A_147, %dma_start3A_148] : memref<2x40x1024xf32, #tpu.memory_space<vmem>> -> memref<1x40x1024xf32, #tpu.memory_space<vmem>>
    %dma_start3A_150 = tpu.memref_squeeze %dma_start3A_149 : memref<1x40x1024xf32, #tpu.memory_space<vmem>> -> memref<40x1024xf32, #tpu.memory_space<vmem>>
    %dma_start3A_151 = arith.constant 0 : i32
    %dma_start3A_152 = tpu.memref_slice %arg4[%add3A_145, %dma_start3A_151] : memref<5120x1024xf32, #tpu.memory_space<hbm>> -> memref<40x1024xf32, #tpu.memory_space<hbm>>
    %dma_start3A_153 = arith.constant 0 : i32
    %dma_start3A_154 = tpu.memref_slice %arg4[%add3A_145, %dma_start3A_153] : memref<5120x1024xf32, #tpu.memory_space<hbm>> -> memref<40x1024xf32, #tpu.memory_space<hbm>>
    %dma_start3A_155 = arith.constant 0 : i32
    %dma_start3A_156 = arith.constant 0 : i32
    %dma_start3A_157 = tpu.memref_slice %arg10[%dma_start3A_146, %dma_start3A_155, %dma_start3A_156] : memref<2x40x1024xf32, #tpu.memory_space<vmem>> -> memref<1x40x1024xf32, #tpu.memory_space<vmem>>
    %dma_start3A_158 = tpu.memref_squeeze %dma_start3A_157 : memref<1x40x1024xf32, #tpu.memory_space<vmem>> -> memref<40x1024xf32, #tpu.memory_space<vmem>>
    tpu.enqueue_dma source(%dma_start3A_158 : memref<40x1024xf32, #tpu.memory_space<vmem>>) target(%dma_start3A_154 : memref<40x1024xf32, #tpu.memory_space<hbm>>) target_semaphore(%arg15 : memref<!tpu.dma_semaphore, #tpu.memory_space<semaphore_mem>>)
    %dma_wait3A_159 = arith.constant 0 : i32
    %dma_wait3A_160 = arith.constant 0 : i32
    %dma_wait3A_161 = arith.constant 0 : i32
    %dma_wait3A_162 = tpu.memref_slice %arg10[%dma_wait3A_159, %dma_wait3A_160, %dma_wait3A_161] : memref<2x40x1024xf32, #tpu.memory_space<vmem>> -> memref<1x40x1024xf32, #tpu.memory_space<vmem>>
    %dma_wait3A_163 = tpu.memref_squeeze %dma_wait3A_162 : memref<1x40x1024xf32, #tpu.memory_space<vmem>> -> memref<40x1024xf32, #tpu.memory_space<vmem>>
    %dma_wait3A_164 = arith.constant 0 : i32
    %dma_wait3A_165 = tpu.memref_slice %arg4[%add3A_145, %dma_wait3A_164] : memref<5120x1024xf32, #tpu.memory_space<hbm>> -> memref<40x1024xf32, #tpu.memory_space<hbm>>
    %dma_wait3A_166 = arith.constant 0 : i32
    %dma_wait3A_167 = tpu.memref_slice %arg4[%add3A_145, %dma_wait3A_166] : memref<5120x1024xf32, #tpu.memory_space<hbm>> -> memref<40x1024xf32, #tpu.memory_space<hbm>>
    %dma_wait3A_168 = arith.constant 0 : i32
    %dma_wait3A_169 = arith.constant 0 : i32
    %dma_wait3A_170 = tpu.memref_slice %arg10[%dma_wait3A_159, %dma_wait3A_168, %dma_wait3A_169] : memref<2x40x1024xf32, #tpu.memory_space<vmem>> -> memref<1x40x1024xf32, #tpu.memory_space<vmem>>
    %dma_wait3A_171 = tpu.memref_squeeze %dma_wait3A_170 : memref<1x40x1024xf32, #tpu.memory_space<vmem>> -> memref<40x1024xf32, #tpu.memory_space<vmem>>
    tpu.wait_dma2 semaphore(%arg15 : memref<!tpu.dma_semaphore, #tpu.memory_space<semaphore_mem>>) src(%dma_wait3A_171 : memref<40x1024xf32, #tpu.memory_space<vmem>>) dst(%dma_wait3A_167 : memref<40x1024xf32, #tpu.memory_space<hbm>>)
    %dma_start3A_172 = arith.constant 0 : i32
    %dma_start3A_173 = arith.constant 0 : i32
    %dma_start3A_174 = arith.constant 0 : i32
    %dma_start3A_175 = tpu.memref_slice %arg10[%dma_start3A_172, %dma_start3A_173, %dma_start3A_174] : memref<2x40x1024xf32, #tpu.memory_space<vmem>> -> memref<1x40x1024xf32, #tpu.memory_space<vmem>>
    %dma_start3A_176 = tpu.memref_squeeze %dma_start3A_175 : memref<1x40x1024xf32, #tpu.memory_space<vmem>> -> memref<40x1024xf32, #tpu.memory_space<vmem>>
    %dma_start3A_177 = arith.constant 160 : i32
    %dma_start3A_178 = tpu.memref_slice %arg9[%dma_start3A_177] : memref<320xi32, #tpu.memory_space<vmem>> -> memref<40xi32, #tpu.memory_space<vmem>>
    %dma_start3A_179 = arith.constant 0 : i32
    %dma_start3A_180 = arith.constant 0 : i32
    %dma_start3A_181 = tpu.memref_slice %arg2[%dma_start3A_179, %dma_start3A_180] : memref<2304x1024xf32, #tpu.memory_space<hbm>> -> memref<2304x1024xf32, #tpu.memory_space<hbm>>
    tpu.enqueue_indirect_dma source(%dma_start3A_181 : memref<2304x1024xf32, #tpu.memory_space<hbm>>) target(%dma_start3A_176 : memref<40x1024xf32, #tpu.memory_space<vmem>>) offsets(%dma_start3A_178 : memref<40xi32, #tpu.memory_space<vmem>>) semaphore(%arg12 : memref<!tpu.dma_semaphore, #tpu.memory_space<semaphore_mem>>)
    %dma_wait3A_182 = arith.constant 1 : i32
    %dma_wait3A_183 = arith.constant 0 : i32
    %dma_wait3A_184 = arith.constant 0 : i32
    %dma_wait3A_185 = tpu.memref_slice %arg10[%dma_wait3A_182, %dma_wait3A_183, %dma_wait3A_184] : memref<2x40x1024xf32, #tpu.memory_space<vmem>> -> memref<1x40x1024xf32, #tpu.memory_space<vmem>>
    %dma_wait3A_186 = tpu.memref_squeeze %dma_wait3A_185 : memref<1x40x1024xf32, #tpu.memory_space<vmem>> -> memref<40x1024xf32, #tpu.memory_space<vmem>>
    %dma_wait3A_187 = arith.constant 120 : i32
    %dma_wait3A_188 = tpu.memref_slice %arg9[%dma_wait3A_187] : memref<320xi32, #tpu.memory_space<vmem>> -> memref<40xi32, #tpu.memory_space<vmem>>
    %dma_wait3A_189 = arith.constant 0 : i32
    %dma_wait3A_190 = arith.constant 0 : i32
    %dma_wait3A_191 = tpu.memref_slice %arg2[%dma_wait3A_189, %dma_wait3A_190] : memref<2304x1024xf32, #tpu.memory_space<hbm>> -> memref<2304x1024xf32, #tpu.memory_space<hbm>>
    tpu.wait_indirect_dma semaphore(%arg13 : memref<!tpu.dma_semaphore, #tpu.memory_space<semaphore_mem>>) src(%dma_wait3A_191 : memref<2304x1024xf32, #tpu.memory_space<hbm>>) dst(%dma_wait3A_186 : memref<40x1024xf32, #tpu.memory_space<vmem>>)
    %add3A_192 = arith.constant 120 : i32
    %add3A_193 = arith.addi %mul3A_19, %add3A_192 : i32
    %dma_start3A_194 = arith.constant 1 : i32
    %dma_start3A_195 = arith.constant 0 : i32
    %dma_start3A_196 = arith.constant 0 : i32
    %dma_start3A_197 = tpu.memref_slice %arg10[%dma_start3A_194, %dma_start3A_195, %dma_start3A_196] : memref<2x40x1024xf32, #tpu.memory_space<vmem>> -> memref<1x40x1024xf32, #tpu.memory_space<vmem>>
    %dma_start3A_198 = tpu.memref_squeeze %dma_start3A_197 : memref<1x40x1024xf32, #tpu.memory_space<vmem>> -> memref<40x1024xf32, #tpu.memory_space<vmem>>
    %dma_start3A_199 = arith.constant 0 : i32
    %dma_start3A_200 = tpu.memref_slice %arg4[%add3A_193, %dma_start3A_199] : memref<5120x1024xf32, #tpu.memory_space<hbm>> -> memref<40x1024xf32, #tpu.memory_space<hbm>>
    %dma_start3A_201 = arith.constant 0 : i32
    %dma_start3A_202 = tpu.memref_slice %arg4[%add3A_193, %dma_start3A_201] : memref<5120x1024xf32, #tpu.memory_space<hbm>> -> memref<40x1024xf32, #tpu.memory_space<hbm>>
    %dma_start3A_203 = arith.constant 0 : i32
    %dma_start3A_204 = arith.constant 0 : i32
    %dma_start3A_205 = tpu.memref_slice %arg10[%dma_start3A_194, %dma_start3A_203, %dma_start3A_204] : memref<2x40x1024xf32, #tpu.memory_space<vmem>> -> memref<1x40x1024xf32, #tpu.memory_space<vmem>>
    %dma_start3A_206 = tpu.memref_squeeze %dma_start3A_205 : memref<1x40x1024xf32, #tpu.memory_space<vmem>> -> memref<40x1024xf32, #tpu.memory_space<vmem>>
    tpu.enqueue_dma source(%dma_start3A_206 : memref<40x1024xf32, #tpu.memory_space<vmem>>) target(%dma_start3A_202 : memref<40x1024xf32, #tpu.memory_space<hbm>>) target_semaphore(%arg16 : memref<!tpu.dma_semaphore, #tpu.memory_space<semaphore_mem>>)
    %dma_wait3A_207 = arith.constant 1 : i32
    %dma_wait3A_208 = arith.constant 0 : i32
    %dma_wait3A_209 = arith.constant 0 : i32
    %dma_wait3A_210 = tpu.memref_slice %arg10[%dma_wait3A_207, %dma_wait3A_208, %dma_wait3A_209] : memref<2x40x1024xf32, #tpu.memory_space<vmem>> -> memref<1x40x1024xf32, #tpu.memory_space<vmem>>
    %dma_wait3A_211 = tpu.memref_squeeze %dma_wait3A_210 : memref<1x40x1024xf32, #tpu.memory_space<vmem>> -> memref<40x1024xf32, #tpu.memory_space<vmem>>
    %dma_wait3A_212 = arith.constant 0 : i32
    %dma_wait3A_213 = tpu.memref_slice %arg4[%add3A_193, %dma_wait3A_212] : memref<5120x1024xf32, #tpu.memory_space<hbm>> -> memref<40x1024xf32, #tpu.memory_space<hbm>>
    %dma_wait3A_214 = arith.constant 0 : i32
    %dma_wait3A_215 = tpu.memref_slice %arg4[%add3A_193, %dma_wait3A_214] : memref<5120x1024xf32, #tpu.memory_space<hbm>> -> memref<40x1024xf32, #tpu.memory_space<hbm>>
    %dma_wait3A_216 = arith.constant 0 : i32
    %dma_wait3A_217 = arith.constant 0 : i32
    %dma_wait3A_218 = tpu.memref_slice %arg10[%dma_wait3A_207, %dma_wait3A_216, %dma_wait3A_217] : memref<2x40x1024xf32, #tpu.memory_space<vmem>> -> memref<1x40x1024xf32, #tpu.memory_space<vmem>>
    %dma_wait3A_219 = tpu.memref_squeeze %dma_wait3A_218 : memref<1x40x1024xf32, #tpu.memory_space<vmem>> -> memref<40x1024xf32, #tpu.memory_space<vmem>>
    tpu.wait_dma2 semaphore(%arg16 : memref<!tpu.dma_semaphore, #tpu.memory_space<semaphore_mem>>) src(%dma_wait3A_219 : memref<40x1024xf32, #tpu.memory_space<vmem>>) dst(%dma_wait3A_215 : memref<40x1024xf32, #tpu.memory_space<hbm>>)
    %dma_start3A_220 = arith.constant 1 : i32
    %dma_start3A_221 = arith.constant 0 : i32
    %dma_start3A_222 = arith.constant 0 : i32
    %dma_start3A_223 = tpu.memref_slice %arg10[%dma_start3A_220, %dma_start3A_221, %dma_start3A_222] : memref<2x40x1024xf32, #tpu.memory_space<vmem>> -> memref<1x40x1024xf32, #tpu.memory_space<vmem>>
    %dma_start3A_224 = tpu.memref_squeeze %dma_start3A_223 : memref<1x40x1024xf32, #tpu.memory_space<vmem>> -> memref<40x1024xf32, #tpu.memory_space<vmem>>
    %dma_start3A_225 = arith.constant 200 : i32
    %dma_start3A_226 = tpu.memref_slice %arg9[%dma_start3A_225] : memref<320xi32, #tpu.memory_space<vmem>> -> memref<40xi32, #tpu.memory_space<vmem>>
    %dma_start3A_227 = arith.constant 0 : i32
    %dma_start3A_228 = arith.constant 0 : i32
    %dma_start3A_229 = tpu.memref_slice %arg2[%dma_start3A_227, %dma_start3A_228] : memref<2304x1024xf32, #tpu.memory_space<hbm>> -> memref<2304x1024xf32, #tpu.memory_space<hbm>>
    tpu.enqueue_indirect_dma source(%dma_start3A_229 : memref<2304x1024xf32, #tpu.memory_space<hbm>>) target(%dma_start3A_224 : memref<40x1024xf32, #tpu.memory_space<vmem>>) offsets(%dma_start3A_226 : memref<40xi32, #tpu.memory_space<vmem>>) semaphore(%arg13 : memref<!tpu.dma_semaphore, #tpu.memory_space<semaphore_mem>>)
    %dma_wait3A_230 = arith.constant 0 : i32
    %dma_wait3A_231 = arith.constant 0 : i32
    %dma_wait3A_232 = arith.constant 0 : i32
    %dma_wait3A_233 = tpu.memref_slice %arg10[%dma_wait3A_230, %dma_wait3A_231, %dma_wait3A_232] : memref<2x40x1024xf32, #tpu.memory_space<vmem>> -> memref<1x40x1024xf32, #tpu.memory_space<vmem>>
    %dma_wait3A_234 = tpu.memref_squeeze %dma_wait3A_233 : memref<1x40x1024xf32, #tpu.memory_space<vmem>> -> memref<40x1024xf32, #tpu.memory_space<vmem>>
    %dma_wait3A_235 = arith.constant 160 : i32
    %dma_wait3A_236 = tpu.memref_slice %arg9[%dma_wait3A_235] : memref<320xi32, #tpu.memory_space<vmem>> -> memref<40xi32, #tpu.memory_space<vmem>>
    %dma_wait3A_237 = arith.constant 0 : i32
    %dma_wait3A_238 = arith.constant 0 : i32
    %dma_wait3A_239 = tpu.memref_slice %arg2[%dma_wait3A_237, %dma_wait3A_238] : memref<2304x1024xf32, #tpu.memory_space<hbm>> -> memref<2304x1024xf32, #tpu.memory_space<hbm>>
    tpu.wait_indirect_dma semaphore(%arg12 : memref<!tpu.dma_semaphore, #tpu.memory_space<semaphore_mem>>) src(%dma_wait3A_239 : memref<2304x1024xf32, #tpu.memory_space<hbm>>) dst(%dma_wait3A_234 : memref<40x1024xf32, #tpu.memory_space<vmem>>)
    %add3A_240 = arith.constant 160 : i32
    %add3A_241 = arith.addi %mul3A_19, %add3A_240 : i32
    %dma_start3A_242 = arith.constant 0 : i32
    %dma_start3A_243 = arith.constant 0 : i32
    %dma_start3A_244 = arith.constant 0 : i32
    %dma_start3A_245 = tpu.memref_slice %arg10[%dma_start3A_242, %dma_start3A_243, %dma_start3A_244] : memref<2x40x1024xf32, #tpu.memory_space<vmem>> -> memref<1x40x1024xf32, #tpu.memory_space<vmem>>
    %dma_start3A_246 = tpu.memref_squeeze %dma_start3A_245 : memref<1x40x1024xf32, #tpu.memory_space<vmem>> -> memref<40x1024xf32, #tpu.memory_space<vmem>>
    %dma_start3A_247 = arith.constant 0 : i32
    %dma_start3A_248 = tpu.memref_slice %arg4[%add3A_241, %dma_start3A_247] : memref<5120x1024xf32, #tpu.memory_space<hbm>> -> memref<40x1024xf32, #tpu.memory_space<hbm>>
    %dma_start3A_249 = arith.constant 0 : i32
    %dma_start3A_250 = tpu.memref_slice %arg4[%add3A_241, %dma_start3A_249] : memref<5120x1024xf32, #tpu.memory_space<hbm>> -> memref<40x1024xf32, #tpu.memory_space<hbm>>
    %dma_start3A_251 = arith.constant 0 : i32
    %dma_start3A_252 = arith.constant 0 : i32
    %dma_start3A_253 = tpu.memref_slice %arg10[%dma_start3A_242, %dma_start3A_251, %dma_start3A_252] : memref<2x40x1024xf32, #tpu.memory_space<vmem>> -> memref<1x40x1024xf32, #tpu.memory_space<vmem>>
    %dma_start3A_254 = tpu.memref_squeeze %dma_start3A_253 : memref<1x40x1024xf32, #tpu.memory_space<vmem>> -> memref<40x1024xf32, #tpu.memory_space<vmem>>
    tpu.enqueue_dma source(%dma_start3A_254 : memref<40x1024xf32, #tpu.memory_space<vmem>>) target(%dma_start3A_250 : memref<40x1024xf32, #tpu.memory_space<hbm>>) target_semaphore(%arg15 : memref<!tpu.dma_semaphore, #tpu.memory_space<semaphore_mem>>)
    %dma_wait3A_255 = arith.constant 0 : i32
    %dma_wait3A_256 = arith.constant 0 : i32
    %dma_wait3A_257 = arith.constant 0 : i32
    %dma_wait3A_258 = tpu.memref_slice %arg10[%dma_wait3A_255, %dma_wait3A_256, %dma_wait3A_257] : memref<2x40x1024xf32, #tpu.memory_space<vmem>> -> memref<1x40x1024xf32, #tpu.memory_space<vmem>>
    %dma_wait3A_259 = tpu.memref_squeeze %dma_wait3A_258 : memref<1x40x1024xf32, #tpu.memory_space<vmem>> -> memref<40x1024xf32, #tpu.memory_space<vmem>>
    %dma_wait3A_260 = arith.constant 0 : i32
    %dma_wait3A_261 = tpu.memref_slice %arg4[%add3A_241, %dma_wait3A_260] : memref<5120x1024xf32, #tpu.memory_space<hbm>> -> memref<40x1024xf32, #tpu.memory_space<hbm>>
    %dma_wait3A_262 = arith.constant 0 : i32
    %dma_wait3A_263 = tpu.memref_slice %arg4[%add3A_241, %dma_wait3A_262] : memref<5120x1024xf32, #tpu.memory_space<hbm>> -> memref<40x1024xf32, #tpu.memory_space<hbm>>
    %dma_wait3A_264 = arith.constant 0 : i32
    %dma_wait3A_265 = arith.constant 0 : i32
    %dma_wait3A_266 = tpu.memref_slice %arg10[%dma_wait3A_255, %dma_wait3A_264, %dma_wait3A_265] : memref<2x40x1024xf32, #tpu.memory_space<vmem>> -> memref<1x40x1024xf32, #tpu.memory_space<vmem>>
    %dma_wait3A_267 = tpu.memref_squeeze %dma_wait3A_266 : memref<1x40x1024xf32, #tpu.memory_space<vmem>> -> memref<40x1024xf32, #tpu.memory_space<vmem>>
    tpu.wait_dma2 semaphore(%arg15 : memref<!tpu.dma_semaphore, #tpu.memory_space<semaphore_mem>>) src(%dma_wait3A_267 : memref<40x1024xf32, #tpu.memory_space<vmem>>) dst(%dma_wait3A_263 : memref<40x1024xf32, #tpu.memory_space<hbm>>)
    %dma_start3A_268 = arith.constant 0 : i32
    %dma_start3A_269 = arith.constant 0 : i32
    %dma_start3A_270 = arith.constant 0 : i32
    %dma_start3A_271 = tpu.memref_slice %arg10[%dma_start3A_268, %dma_start3A_269, %dma_start3A_270] : memref<2x40x1024xf32, #tpu.memory_space<vmem>> -> memref<1x40x1024xf32, #tpu.memory_space<vmem>>
    %dma_start3A_272 = tpu.memref_squeeze %dma_start3A_271 : memref<1x40x1024xf32, #tpu.memory_space<vmem>> -> memref<40x1024xf32, #tpu.memory_space<vmem>>
    %dma_start3A_273 = arith.constant 240 : i32
    %dma_start3A_274 = tpu.memref_slice %arg9[%dma_start3A_273] : memref<320xi32, #tpu.memory_space<vmem>> -> memref<40xi32, #tpu.memory_space<vmem>>
    %dma_start3A_275 = arith.constant 0 : i32
    %dma_start3A_276 = arith.constant 0 : i32
    %dma_start3A_277 = tpu.memref_slice %arg2[%dma_start3A_275, %dma_start3A_276] : memref<2304x1024xf32, #tpu.memory_space<hbm>> -> memref<2304x1024xf32, #tpu.memory_space<hbm>>
    tpu.enqueue_indirect_dma source(%dma_start3A_277 : memref<2304x1024xf32, #tpu.memory_space<hbm>>) target(%dma_start3A_272 : memref<40x1024xf32, #tpu.memory_space<vmem>>) offsets(%dma_start3A_274 : memref<40xi32, #tpu.memory_space<vmem>>) semaphore(%arg12 : memref<!tpu.dma_semaphore, #tpu.memory_space<semaphore_mem>>)
    %dma_wait3A_278 = arith.constant 1 : i32
    %dma_wait3A_279 = arith.constant 0 : i32
    %dma_wait3A_280 = arith.constant 0 : i32
    %dma_wait3A_281 = tpu.memref_slice %arg10[%dma_wait3A_278, %dma_wait3A_279, %dma_wait3A_280] : memref<2x40x1024xf32, #tpu.memory_space<vmem>> -> memref<1x40x1024xf32, #tpu.memory_space<vmem>>
    %dma_wait3A_282 = tpu.memref_squeeze %dma_wait3A_281 : memref<1x40x1024xf32, #tpu.memory_space<vmem>> -> memref<40x1024xf32, #tpu.memory_space<vmem>>
    %dma_wait3A_283 = arith.constant 200 : i32
    %dma_wait3A_284 = tpu.memref_slice %arg9[%dma_wait3A_283] : memref<320xi32, #tpu.memory_space<vmem>> -> memref<40xi32, #tpu.memory_space<vmem>>
    %dma_wait3A_285 = arith.constant 0 : i32
    %dma_wait3A_286 = arith.constant 0 : i32
    %dma_wait3A_287 = tpu.memref_slice %arg2[%dma_wait3A_285, %dma_wait3A_286] : memref<2304x1024xf32, #tpu.memory_space<hbm>> -> memref<2304x1024xf32, #tpu.memory_space<hbm>>
    tpu.wait_indirect_dma semaphore(%arg13 : memref<!tpu.dma_semaphore, #tpu.memory_space<semaphore_mem>>) src(%dma_wait3A_287 : memref<2304x1024xf32, #tpu.memory_space<hbm>>) dst(%dma_wait3A_282 : memref<40x1024xf32, #tpu.memory_space<vmem>>)
    %add3A_288 = arith.constant 200 : i32
    %add3A_289 = arith.addi %mul3A_19, %add3A_288 : i32
    %dma_start3A_290 = arith.constant 1 : i32
    %dma_start3A_291 = arith.constant 0 : i32
    %dma_start3A_292 = arith.constant 0 : i32
    %dma_start3A_293 = tpu.memref_slice %arg10[%dma_start3A_290, %dma_start3A_291, %dma_start3A_292] : memref<2x40x1024xf32, #tpu.memory_space<vmem>> -> memref<1x40x1024xf32, #tpu.memory_space<vmem>>
    %dma_start3A_294 = tpu.memref_squeeze %dma_start3A_293 : memref<1x40x1024xf32, #tpu.memory_space<vmem>> -> memref<40x1024xf32, #tpu.memory_space<vmem>>
    %dma_start3A_295 = arith.constant 0 : i32
    %dma_start3A_296 = tpu.memref_slice %arg4[%add3A_289, %dma_start3A_295] : memref<5120x1024xf32, #tpu.memory_space<hbm>> -> memref<40x1024xf32, #tpu.memory_space<hbm>>
    %dma_start3A_297 = arith.constant 0 : i32
    %dma_start3A_298 = tpu.memref_slice %arg4[%add3A_289, %dma_start3A_297] : memref<5120x1024xf32, #tpu.memory_space<hbm>> -> memref<40x1024xf32, #tpu.memory_space<hbm>>
    %dma_start3A_299 = arith.constant 0 : i32
    %dma_start3A_300 = arith.constant 0 : i32
    %dma_start3A_301 = tpu.memref_slice %arg10[%dma_start3A_290, %dma_start3A_299, %dma_start3A_300] : memref<2x40x1024xf32, #tpu.memory_space<vmem>> -> memref<1x40x1024xf32, #tpu.memory_space<vmem>>
    %dma_start3A_302 = tpu.memref_squeeze %dma_start3A_301 : memref<1x40x1024xf32, #tpu.memory_space<vmem>> -> memref<40x1024xf32, #tpu.memory_space<vmem>>
    tpu.enqueue_dma source(%dma_start3A_302 : memref<40x1024xf32, #tpu.memory_space<vmem>>) target(%dma_start3A_298 : memref<40x1024xf32, #tpu.memory_space<hbm>>) target_semaphore(%arg16 : memref<!tpu.dma_semaphore, #tpu.memory_space<semaphore_mem>>)
    %dma_wait3A_303 = arith.constant 1 : i32
    %dma_wait3A_304 = arith.constant 0 : i32
    %dma_wait3A_305 = arith.constant 0 : i32
    %dma_wait3A_306 = tpu.memref_slice %arg10[%dma_wait3A_303, %dma_wait3A_304, %dma_wait3A_305] : memref<2x40x1024xf32, #tpu.memory_space<vmem>> -> memref<1x40x1024xf32, #tpu.memory_space<vmem>>
    %dma_wait3A_307 = tpu.memref_squeeze %dma_wait3A_306 : memref<1x40x1024xf32, #tpu.memory_space<vmem>> -> memref<40x1024xf32, #tpu.memory_space<vmem>>
    %dma_wait3A_308 = arith.constant 0 : i32
    %dma_wait3A_309 = tpu.memref_slice %arg4[%add3A_289, %dma_wait3A_308] : memref<5120x1024xf32, #tpu.memory_space<hbm>> -> memref<40x1024xf32, #tpu.memory_space<hbm>>
    %dma_wait3A_310 = arith.constant 0 : i32
    %dma_wait3A_311 = tpu.memref_slice %arg4[%add3A_289, %dma_wait3A_310] : memref<5120x1024xf32, #tpu.memory_space<hbm>> -> memref<40x1024xf32, #tpu.memory_space<hbm>>
    %dma_wait3A_312 = arith.constant 0 : i32
    %dma_wait3A_313 = arith.constant 0 : i32
    %dma_wait3A_314 = tpu.memref_slice %arg10[%dma_wait3A_303, %dma_wait3A_312, %dma_wait3A_313] : memref<2x40x1024xf32, #tpu.memory_space<vmem>> -> memref<1x40x1024xf32, #tpu.memory_space<vmem>>
    %dma_wait3A_315 = tpu.memref_squeeze %dma_wait3A_314 : memref<1x40x1024xf32, #tpu.memory_space<vmem>> -> memref<40x1024xf32, #tpu.memory_space<vmem>>
    tpu.wait_dma2 semaphore(%arg16 : memref<!tpu.dma_semaphore, #tpu.memory_space<semaphore_mem>>) src(%dma_wait3A_315 : memref<40x1024xf32, #tpu.memory_space<vmem>>) dst(%dma_wait3A_311 : memref<40x1024xf32, #tpu.memory_space<hbm>>)
    %dma_start3A_316 = arith.constant 1 : i32
    %dma_start3A_317 = arith.constant 0 : i32
    %dma_start3A_318 = arith.constant 0 : i32
    %dma_start3A_319 = tpu.memref_slice %arg10[%dma_start3A_316, %dma_start3A_317, %dma_start3A_318] : memref<2x40x1024xf32, #tpu.memory_space<vmem>> -> memref<1x40x1024xf32, #tpu.memory_space<vmem>>
    %dma_start3A_320 = tpu.memref_squeeze %dma_start3A_319 : memref<1x40x1024xf32, #tpu.memory_space<vmem>> -> memref<40x1024xf32, #tpu.memory_space<vmem>>
    %dma_start3A_321 = arith.constant 280 : i32
    %dma_start3A_322 = tpu.memref_slice %arg9[%dma_start3A_321] : memref<320xi32, #tpu.memory_space<vmem>> -> memref<40xi32, #tpu.memory_space<vmem>>
    %dma_start3A_323 = arith.constant 0 : i32
    %dma_start3A_324 = arith.constant 0 : i32
    %dma_start3A_325 = tpu.memref_slice %arg2[%dma_start3A_323, %dma_start3A_324] : memref<2304x1024xf32, #tpu.memory_space<hbm>> -> memref<2304x1024xf32, #tpu.memory_space<hbm>>
    tpu.enqueue_indirect_dma source(%dma_start3A_325 : memref<2304x1024xf32, #tpu.memory_space<hbm>>) target(%dma_start3A_320 : memref<40x1024xf32, #tpu.memory_space<vmem>>) offsets(%dma_start3A_322 : memref<40xi32, #tpu.memory_space<vmem>>) semaphore(%arg13 : memref<!tpu.dma_semaphore, #tpu.memory_space<semaphore_mem>>)
    %dma_wait3A_326 = arith.constant 0 : i32
    %dma_wait3A_327 = arith.constant 0 : i32
    %dma_wait3A_328 = arith.constant 0 : i32
    %dma_wait3A_329 = tpu.memref_slice %arg10[%dma_wait3A_326, %dma_wait3A_327, %dma_wait3A_328] : memref<2x40x1024xf32, #tpu.memory_space<vmem>> -> memref<1x40x1024xf32, #tpu.memory_space<vmem>>
    %dma_wait3A_330 = tpu.memref_squeeze %dma_wait3A_329 : memref<1x40x1024xf32, #tpu.memory_space<vmem>> -> memref<40x1024xf32, #tpu.memory_space<vmem>>
    %dma_wait3A_331 = arith.constant 240 : i32
    %dma_wait3A_332 = tpu.memref_slice %arg9[%dma_wait3A_331] : memref<320xi32, #tpu.memory_space<vmem>> -> memref<40xi32, #tpu.memory_space<vmem>>
    %dma_wait3A_333 = arith.constant 0 : i32
    %dma_wait3A_334 = arith.constant 0 : i32
    %dma_wait3A_335 = tpu.memref_slice %arg2[%dma_wait3A_333, %dma_wait3A_334] : memref<2304x1024xf32, #tpu.memory_space<hbm>> -> memref<2304x1024xf32, #tpu.memory_space<hbm>>
    tpu.wait_indirect_dma semaphore(%arg12 : memref<!tpu.dma_semaphore, #tpu.memory_space<semaphore_mem>>) src(%dma_wait3A_335 : memref<2304x1024xf32, #tpu.memory_space<hbm>>) dst(%dma_wait3A_330 : memref<40x1024xf32, #tpu.memory_space<vmem>>)
    %add3A_336 = arith.constant 240 : i32
    %add3A_337 = arith.addi %mul3A_19, %add3A_336 : i32
    %dma_start3A_338 = arith.constant 0 : i32
    %dma_start3A_339 = arith.constant 0 : i32
    %dma_start3A_340 = arith.constant 0 : i32
    %dma_start3A_341 = tpu.memref_slice %arg10[%dma_start3A_338, %dma_start3A_339, %dma_start3A_340] : memref<2x40x1024xf32, #tpu.memory_space<vmem>> -> memref<1x40x1024xf32, #tpu.memory_space<vmem>>
    %dma_start3A_342 = tpu.memref_squeeze %dma_start3A_341 : memref<1x40x1024xf32, #tpu.memory_space<vmem>> -> memref<40x1024xf32, #tpu.memory_space<vmem>>
    %dma_start3A_343 = arith.constant 0 : i32
    %dma_start3A_344 = tpu.memref_slice %arg4[%add3A_337, %dma_start3A_343] : memref<5120x1024xf32, #tpu.memory_space<hbm>> -> memref<40x1024xf32, #tpu.memory_space<hbm>>
    %dma_start3A_345 = arith.constant 0 : i32
    %dma_start3A_346 = tpu.memref_slice %arg4[%add3A_337, %dma_start3A_345] : memref<5120x1024xf32, #tpu.memory_space<hbm>> -> memref<40x1024xf32, #tpu.memory_space<hbm>>
    %dma_start3A_347 = arith.constant 0 : i32
    %dma_start3A_348 = arith.constant 0 : i32
    %dma_start3A_349 = tpu.memref_slice %arg10[%dma_start3A_338, %dma_start3A_347, %dma_start3A_348] : memref<2x40x1024xf32, #tpu.memory_space<vmem>> -> memref<1x40x1024xf32, #tpu.memory_space<vmem>>
    %dma_start3A_350 = tpu.memref_squeeze %dma_start3A_349 : memref<1x40x1024xf32, #tpu.memory_space<vmem>> -> memref<40x1024xf32, #tpu.memory_space<vmem>>
    tpu.enqueue_dma source(%dma_start3A_350 : memref<40x1024xf32, #tpu.memory_space<vmem>>) target(%dma_start3A_346 : memref<40x1024xf32, #tpu.memory_space<hbm>>) target_semaphore(%arg15 : memref<!tpu.dma_semaphore, #tpu.memory_space<semaphore_mem>>)
    %dma_wait3A_351 = arith.constant 1 : i32
    %dma_wait3A_352 = arith.constant 0 : i32
    %dma_wait3A_353 = arith.constant 0 : i32
    %dma_wait3A_354 = tpu.memref_slice %arg10[%dma_wait3A_351, %dma_wait3A_352, %dma_wait3A_353] : memref<2x40x1024xf32, #tpu.memory_space<vmem>> -> memref<1x40x1024xf32, #tpu.memory_space<vmem>>
    %dma_wait3A_355 = tpu.memref_squeeze %dma_wait3A_354 : memref<1x40x1024xf32, #tpu.memory_space<vmem>> -> memref<40x1024xf32, #tpu.memory_space<vmem>>
    %dma_wait3A_356 = arith.constant 280 : i32
    %dma_wait3A_357 = tpu.memref_slice %arg9[%dma_wait3A_356] : memref<320xi32, #tpu.memory_space<vmem>> -> memref<40xi32, #tpu.memory_space<vmem>>
    %dma_wait3A_358 = arith.constant 0 : i32
    %dma_wait3A_359 = arith.constant 0 : i32
    %dma_wait3A_360 = tpu.memref_slice %arg2[%dma_wait3A_358, %dma_wait3A_359] : memref<2304x1024xf32, #tpu.memory_space<hbm>> -> memref<2304x1024xf32, #tpu.memory_space<hbm>>
    tpu.wait_indirect_dma semaphore(%arg13 : memref<!tpu.dma_semaphore, #tpu.memory_space<semaphore_mem>>) src(%dma_wait3A_360 : memref<2304x1024xf32, #tpu.memory_space<hbm>>) dst(%dma_wait3A_355 : memref<40x1024xf32, #tpu.memory_space<vmem>>)
    %add3A_361 = arith.constant 280 : i32
    %add3A_362 = arith.addi %mul3A_19, %add3A_361 : i32
    %dma_start3A_363 = arith.constant 1 : i32
    %dma_start3A_364 = arith.constant 0 : i32
    %dma_start3A_365 = arith.constant 0 : i32
    %dma_start3A_366 = tpu.memref_slice %arg10[%dma_start3A_363, %dma_start3A_364, %dma_start3A_365] : memref<2x40x1024xf32, #tpu.memory_space<vmem>> -> memref<1x40x1024xf32, #tpu.memory_space<vmem>>
    %dma_start3A_367 = tpu.memref_squeeze %dma_start3A_366 : memref<1x40x1024xf32, #tpu.memory_space<vmem>> -> memref<40x1024xf32, #tpu.memory_space<vmem>>
    %dma_start3A_368 = arith.constant 0 : i32
    %dma_start3A_369 = tpu.memref_slice %arg4[%add3A_362, %dma_start3A_368] : memref<5120x1024xf32, #tpu.memory_space<hbm>> -> memref<40x1024xf32, #tpu.memory_space<hbm>>
    %dma_start3A_370 = arith.constant 0 : i32
    %dma_start3A_371 = tpu.memref_slice %arg4[%add3A_362, %dma_start3A_370] : memref<5120x1024xf32, #tpu.memory_space<hbm>> -> memref<40x1024xf32, #tpu.memory_space<hbm>>
    %dma_start3A_372 = arith.constant 0 : i32
    %dma_start3A_373 = arith.constant 0 : i32
    %dma_start3A_374 = tpu.memref_slice %arg10[%dma_start3A_363, %dma_start3A_372, %dma_start3A_373] : memref<2x40x1024xf32, #tpu.memory_space<vmem>> -> memref<1x40x1024xf32, #tpu.memory_space<vmem>>
    %dma_start3A_375 = tpu.memref_squeeze %dma_start3A_374 : memref<1x40x1024xf32, #tpu.memory_space<vmem>> -> memref<40x1024xf32, #tpu.memory_space<vmem>>
    tpu.enqueue_dma source(%dma_start3A_375 : memref<40x1024xf32, #tpu.memory_space<vmem>>) target(%dma_start3A_371 : memref<40x1024xf32, #tpu.memory_space<hbm>>) target_semaphore(%arg16 : memref<!tpu.dma_semaphore, #tpu.memory_space<semaphore_mem>>)
    %dma_wait3A_376 = arith.constant 0 : i32
    %dma_wait3A_377 = arith.constant 0 : i32
    %dma_wait3A_378 = arith.constant 0 : i32
    %dma_wait3A_379 = tpu.memref_slice %arg10[%dma_wait3A_376, %dma_wait3A_377, %dma_wait3A_378] : memref<2x40x1024xf32, #tpu.memory_space<vmem>> -> memref<1x40x1024xf32, #tpu.memory_space<vmem>>
    %dma_wait3A_380 = tpu.memref_squeeze %dma_wait3A_379 : memref<1x40x1024xf32, #tpu.memory_space<vmem>> -> memref<40x1024xf32, #tpu.memory_space<vmem>>
    %dma_wait3A_381 = arith.constant 0 : i32
    %dma_wait3A_382 = tpu.memref_slice %arg4[%add3A_337, %dma_wait3A_381] : memref<5120x1024xf32, #tpu.memory_space<hbm>> -> memref<40x1024xf32, #tpu.memory_space<hbm>>
    %dma_wait3A_383 = arith.constant 0 : i32
    %dma_wait3A_384 = tpu.memref_slice %arg4[%add3A_337, %dma_wait3A_383] : memref<5120x1024xf32, #tpu.memory_space<hbm>> -> memref<40x1024xf32, #tpu.memory_space<hbm>>
    %dma_wait3A_385 = arith.constant 0 : i32
    %dma_wait3A_386 = arith.constant 0 : i32
    %dma_wait3A_387 = tpu.memref_slice %arg10[%dma_wait3A_376, %dma_wait3A_385, %dma_wait3A_386] : memref<2x40x1024xf32, #tpu.memory_space<vmem>> -> memref<1x40x1024xf32, #tpu.memory_space<vmem>>
    %dma_wait3A_388 = tpu.memref_squeeze %dma_wait3A_387 : memref<1x40x1024xf32, #tpu.memory_space<vmem>> -> memref<40x1024xf32, #tpu.memory_space<vmem>>
    tpu.wait_dma2 semaphore(%arg15 : memref<!tpu.dma_semaphore, #tpu.memory_space<semaphore_mem>>) src(%dma_wait3A_388 : memref<40x1024xf32, #tpu.memory_space<vmem>>) dst(%dma_wait3A_384 : memref<40x1024xf32, #tpu.memory_space<hbm>>)
    %dma_wait3A_389 = arith.constant 1 : i32
    %dma_wait3A_390 = arith.constant 0 : i32
    %dma_wait3A_391 = arith.constant 0 : i32
    %dma_wait3A_392 = tpu.memref_slice %arg10[%dma_wait3A_389, %dma_wait3A_390, %dma_wait3A_391] : memref<2x40x1024xf32, #tpu.memory_space<vmem>> -> memref<1x40x1024xf32, #tpu.memory_space<vmem>>
    %dma_wait3A_393 = tpu.memref_squeeze %dma_wait3A_392 : memref<1x40x1024xf32, #tpu.memory_space<vmem>> -> memref<40x1024xf32, #tpu.memory_space<vmem>>
    %dma_wait3A_394 = arith.constant 0 : i32
    %dma_wait3A_395 = tpu.memref_slice %arg4[%add3A_362, %dma_wait3A_394] : memref<5120x1024xf32, #tpu.memory_space<hbm>> -> memref<40x1024xf32, #tpu.memory_space<hbm>>
    %dma_wait3A_396 = arith.constant 0 : i32
    %dma_wait3A_397 = tpu.memref_slice %arg4[%add3A_362, %dma_wait3A_396] : memref<5120x1024xf32, #tpu.memory_space<hbm>> -> memref<40x1024xf32, #tpu.memory_space<hbm>>
    %dma_wait3A_398 = arith.constant 0 : i32
    %dma_wait3A_399 = arith.constant 0 : i32
    %dma_wait3A_400 = tpu.memref_slice %arg10[%dma_wait3A_389, %dma_wait3A_398, %dma_wait3A_399] : memref<2x40x1024xf32, #tpu.memory_space<vmem>> -> memref<1x40x1024xf32, #tpu.memory_space<vmem>>
    %dma_wait3A_401 = tpu.memref_squeeze %dma_wait3A_400 : memref<1x40x1024xf32, #tpu.memory_space<vmem>> -> memref<40x1024xf32, #tpu.memory_space<vmem>>
    tpu.wait_dma2 semaphore(%arg16 : memref<!tpu.dma_semaphore, #tpu.memory_space<semaphore_mem>>) src(%dma_wait3A_401 : memref<40x1024xf32, #tpu.memory_space<vmem>>) dst(%dma_wait3A_397 : memref<40x1024xf32, #tpu.memory_space<hbm>>)
    return
  }
}

module attributes {stable_mosaic.version = 14 : i64} {
  func.func @_routing_body(%arg0: i32, %arg1: memref<256x1024xf32, #tpu.memory_space<vmem>>, %arg2: memref<16x1024xf32, #tpu.memory_space<vmem>>, %arg3: memref<256x16xf32, #tpu.memory_space<vmem>>, %arg4: memref<256x1xi32, #tpu.memory_space<vmem>>, %arg5: memref<256x1xf32, #tpu.memory_space<vmem>>, %arg6: memref<1x1x256xi32, #tpu.memory_space<vmem>>, %arg7: memref<1x1x256xf32, #tpu.memory_space<vmem>>, %arg8: memref<256x8x128xf32, #tpu.memory_space<vmem>>, %arg9: memref<1x16xf32, #tpu.memory_space<vmem>>, %arg10: memref<2048x16xf32, #tpu.memory_space<vmem>>, %arg11: memref<2048x1xi32, #tpu.memory_space<vmem>>, %arg12: memref<2048x1xf32, #tpu.memory_space<vmem>>) attributes {dimension_semantics = [#tpu.dimension_semantics<arbitrary>], iteration_bounds = array<i64: 16>, scalar_prefetch = 0 : i64, scratch_operands = 4 : i64, tpu.core_type = #tpu.core_type<tc>, window_params = [{transform_indices = @transform_0, window_bounds = array<i64: 256, 1024>}, {pipeline_mode = #tpu.pipeline_mode<synchronous>, transform_indices = @transform_1, window_bounds = array<i64: 16, 1024>}, {transform_indices = @transform_2, window_bounds = array<i64: 256, 16>}, {transform_indices = @transform_3, window_bounds = array<i64: 256, 1>}, {transform_indices = @transform_4, window_bounds = array<i64: 256, 1>}, {transform_indices = @transform_5, window_bounds = array<i64: 1, 1, 256>}, {transform_indices = @transform_6, window_bounds = array<i64: 1, 1, 256>}, {transform_indices = @transform_7, window_bounds = array<i64: 256, 8, 128>}]} {
    %lt3A = arith.constant 8 : i32
    %lt3A_0 = arith.cmpi slt, %arg0, %lt3A : i32
    %jit3A = arith.constant 8 : i32
    %eq3A = arith.constant 0 : i32
    %eq3A_1 = arith.cmpi eq, %jit3A, %eq3A : i32
    %jit3A_2 = arith.constant 1 : i32
    %select_n3A = arith.select %eq3A_1, %jit3A_2, %jit3A : i32
    %rem3A = arith.remsi %arg0, %select_n3A : i32
    %ne3A = arith.constant 0 : i32
    %ne3A_3 = arith.cmpi ne, %rem3A, %ne3A : i32
    %lt3A_4 = arith.constant 0 : i32
    %lt3A_5 = arith.cmpi slt, %rem3A, %lt3A_4 : i32
    %lt3A_6 = arith.constant 0 : i32
    %lt3A_7 = arith.cmpi slt, %select_n3A, %lt3A_6 : i32
    %ne3A_8 = arith.xori %lt3A_5, %lt3A_7 : i1
    %and3A = arith.andi %ne3A_8, %ne3A_3 : i1
    %add3A = arith.addi %rem3A, %select_n3A : i32
    %select_n3A_9 = arith.select %and3A, %add3A, %rem3A : i32
    %mul3A = arith.constant 256 : i32
    %mul3A_10 = arith.muli %select_n3A_9, %mul3A : i32
    %get3A = arith.constant 0 : index
    %get3A_11 = arith.constant 0 : index
    %get3A_12 = vector.load %arg1[%get3A, %get3A_11] : memref<256x1024xf32, #tpu.memory_space<vmem>>, vector<256x1024xf32>
    %jit3A_13 = arith.constant 0.000000e+00 : f32
    %broadcast_in_dim3A = vector.broadcast %jit3A_13 : f32 to vector<256x1024xf32>
    %select_n3A_14 = arith.select %lt3A_0, %get3A_12, %broadcast_in_dim3A : vector<256x1024xf32>
    %reshape3A = vector.shape_cast %select_n3A_14 : vector<256x1024xf32> to vector<256x8x128xf32>
    %swap3A = arith.constant 0 : index
    %swap3A_15 = arith.constant 0 : index
    %swap3A_16 = arith.constant 0 : index
    %swap3A_17 = vector.load %arg8[%swap3A, %swap3A_15, %swap3A_16] : memref<256x8x128xf32, #tpu.memory_space<vmem>>, vector<256x8x128xf32>
    tpu.vector_store %arg8[%swap3A, %swap3A_15, %swap3A_16], %reshape3A {strides = array<i32>} : memref<256x8x128xf32, #tpu.memory_space<vmem>>, vector<256x8x128xf32>,
    %eq3A_18 = arith.constant 0 : i32
    %eq3A_19 = arith.cmpi eq, %arg0, %eq3A_18 : i32
    %convert_element_type3A = arith.extui %eq3A_19 : i1 to i32
    %cond3A = arith.constant 0 : i32
    %cond3A_20 = arith.cmpi ne, %convert_element_type3A, %cond3A : i32
    scf.if %cond3A_20 {
      %broadcast_in_dim3A_28 = arith.constant 0.000000e+00 : f32
      %broadcast_in_dim3A_29 = vector.broadcast %broadcast_in_dim3A_28 : f32 to vector<1x16xf32>
      %swap3A_30 = arith.constant 0 : index
      %swap3A_31 = arith.constant 0 : index
      %swap3A_32 = vector.load %arg9[%swap3A_30, %swap3A_31] : memref<1x16xf32, #tpu.memory_space<vmem>>, vector<1x16xf32>
      tpu.vector_store %arg9[%swap3A_30, %swap3A_31], %broadcast_in_dim3A_29 {strides = array<i32>} : memref<1x16xf32, #tpu.memory_space<vmem>>, vector<1x16xf32>,
    } else {
    }
    %iota3A = tpu.iota {dimensions = array<i32: 1>} : vector<256x16xi32>
    %convert_element_type3A_21 = arith.extui %lt3A_0 : i1 to i32
    %cond3A_22 = arith.constant 0 : i32
    %cond3A_23 = arith.cmpi ne, %convert_element_type3A_21, %cond3A_22 : i32
    scf.if %cond3A_23 {
      %get3A_28 = arith.constant 0 : index
      %get3A_29 = arith.constant 0 : index
      %get3A_30 = vector.load %arg1[%get3A_28, %get3A_29] : memref<256x1024xf32, #tpu.memory_space<vmem>>, vector<256x1024xf32>
      %convert_element_type3A_31 = arith.truncf %get3A_30 : vector<256x1024xf32> to vector<256x1024xbf16>
      %get3A_32 = arith.constant 0 : index
      %get3A_33 = arith.constant 0 : index
      %get3A_34 = vector.load %arg2[%get3A_32, %get3A_33] : memref<16x1024xf32, #tpu.memory_space<vmem>>, vector<16x1024xf32>
      %convert_element_type3A_35 = arith.truncf %get3A_34 : vector<16x1024xf32> to vector<16x1024xbf16>
      %dot_general3A = arith.constant dense<0.000000e+00> : vector<256x16xf32>
      %dot_general3A_36 = tpu.matmul %convert_element_type3A_31, %convert_element_type3A_35, %dot_general3A {dimension_numbers = #tpu.dot_dimension_numbers<[1], [1], [0], [0], [0, 0, 1, 0], [], []>, transpose_lhs_hint = false} : vector<256x1024xbf16>, vector<16x1024xbf16>, vector<256x16xf32> -> vector<256x16xf32>
      %reduce_max3A = arith.constant dense<0xFF800000> : vector<256xf32>
      %reduce_max3A_37 = vector.multi_reduction <maximumf>, %dot_general3A_36, %reduce_max3A [1] : vector<256x16xf32> to vector<256xf32>
      %broadcast_in_dim3A_38 = vector.shape_cast %reduce_max3A_37 : vector<256xf32> to vector<256x1xf32>
      %eq3A_39 = vector.broadcast %broadcast_in_dim3A_38 : vector<256x1xf32> to vector<256x16xf32>
      %eq3A_40 = arith.cmpf oeq, %dot_general3A_36, %eq3A_39 : vector<256x16xf32>
      %jit3A_41 = arith.constant 16 : i32
      %broadcast_in_dim3A_42 = vector.broadcast %jit3A_41 : i32 to vector<256x16xi32>
      %select_n3A_43 = arith.select %eq3A_40, %iota3A, %broadcast_in_dim3A_42 : vector<256x16xi1>, vector<256x16xi32>
      %reduce_min3A = arith.constant dense<2147483647> : vector<256xi32>
      %reduce_min3A_44 = vector.multi_reduction <minsi>, %select_n3A_43, %reduce_min3A [1] : vector<256x16xi32> to vector<256xi32>
      %broadcast_in_dim3A_45 = vector.shape_cast %reduce_min3A_44 : vector<256xi32> to vector<256x1xi32>
      %eq3A_46 = vector.broadcast %broadcast_in_dim3A_45 : vector<256x1xi32> to vector<256x16xi32>
      %eq3A_47 = arith.cmpi eq, %iota3A, %eq3A_46 : vector<256x16xi32>
      %jit3A_48 = arith.constant 0xFF800000 : f32
      %broadcast_in_dim3A_49 = vector.broadcast %jit3A_48 : f32 to vector<256x16xf32>
      %select_n3A_50 = arith.select %eq3A_47, %broadcast_in_dim3A_49, %dot_general3A_36 : vector<256x16xi1>, vector<256x16xf32>
      %reduce_max3A_51 = arith.constant dense<0xFF800000> : vector<256xf32>
      %reduce_max3A_52 = vector.multi_reduction <maximumf>, %select_n3A_50, %reduce_max3A_51 [1] : vector<256x16xf32> to vector<256xf32>
      %broadcast_in_dim3A_53 = vector.shape_cast %reduce_max3A_52 : vector<256xf32> to vector<256x1xf32>
      %eq3A_54 = vector.broadcast %broadcast_in_dim3A_53 : vector<256x1xf32> to vector<256x16xf32>
      %eq3A_55 = arith.cmpf oeq, %select_n3A_50, %eq3A_54 : vector<256x16xf32>
      %jit3A_56 = arith.constant 16 : i32
      %broadcast_in_dim3A_57 = vector.broadcast %jit3A_56 : i32 to vector<256x16xi32>
      %select_n3A_58 = arith.select %eq3A_55, %iota3A, %broadcast_in_dim3A_57 : vector<256x16xi1>, vector<256x16xi32>
      %reduce_min3A_59 = arith.constant dense<2147483647> : vector<256xi32>
      %reduce_min3A_60 = vector.multi_reduction <minsi>, %select_n3A_58, %reduce_min3A_59 [1] : vector<256x16xi32> to vector<256xi32>
      %broadcast_in_dim3A_61 = vector.shape_cast %reduce_min3A_60 : vector<256xi32> to vector<256x1xi32>
      %sub3A = arith.subf %broadcast_in_dim3A_53, %broadcast_in_dim3A_38 : vector<256x1xf32>
      %exp3A = math.exp %sub3A : vector<256x1xf32>
      %swap3A_62 = arith.constant 0 : index
      %swap3A_63 = arith.constant 0 : index
      %swap3A_64 = vector.load %arg3[%swap3A_62, %swap3A_63] : memref<256x16xf32, #tpu.memory_space<vmem>>, vector<256x16xf32>
      tpu.vector_store %arg3[%swap3A_62, %swap3A_63], %dot_general3A_36 {strides = array<i32>} : memref<256x16xf32, #tpu.memory_space<vmem>>, vector<256x16xf32>,
      %swap3A_65 = arith.index_cast %mul3A_10 : i32 to index
      %swap3A_66 = arith.constant 0 : index
      %swap3A_67 = vector.load %arg10[%swap3A_65, %swap3A_66] : memref<2048x16xf32, #tpu.memory_space<vmem>>, vector<256x16xf32>
      tpu.vector_store %arg10[%swap3A_65, %swap3A_66], %dot_general3A_36 {strides = array<i32>} : memref<2048x16xf32, #tpu.memory_space<vmem>>, vector<256x16xf32>,
      %swap3A_68 = arith.index_cast %mul3A_10 : i32 to index
      %swap3A_69 = arith.constant 0 : index
      %swap3A_70 = vector.load %arg11[%swap3A_68, %swap3A_69] : memref<2048x1xi32, #tpu.memory_space<vmem>>, vector<256x1xi32>
      tpu.vector_store %arg11[%swap3A_68, %swap3A_69], %broadcast_in_dim3A_61 {strides = array<i32>} : memref<2048x1xi32, #tpu.memory_space<vmem>>, vector<256x1xi32>,
      %add3A_71 = arith.constant 1.000000e+00 : f32
      %add3A_72 = vector.broadcast %add3A_71 : f32 to vector<256x1xf32>
      %add3A_73 = arith.addf %add3A_72, %exp3A : vector<256x1xf32>
      %div3A = arith.divf %exp3A, %add3A_73 : vector<256x1xf32>
      %swap3A_74 = arith.index_cast %mul3A_10 : i32 to index
      %swap3A_75 = arith.constant 0 : index
      %swap3A_76 = vector.load %arg12[%swap3A_74, %swap3A_75] : memref<2048x1xf32, #tpu.memory_space<vmem>>, vector<256x1xf32>
      tpu.vector_store %arg12[%swap3A_74, %swap3A_75], %div3A {strides = array<i32>} : memref<2048x1xf32, #tpu.memory_space<vmem>>, vector<256x1xf32>,
      %add3A_77 = arith.constant 1.000000e+00 : f32
      %add3A_78 = vector.broadcast %add3A_77 : f32 to vector<256x1xf32>
      %add3A_79 = arith.addf %add3A_78, %exp3A : vector<256x1xf32>
      %div3A_80 = arith.constant 1.000000e+00 : f32
      %div3A_81 = vector.broadcast %div3A_80 : f32 to vector<256x1xf32>
      %div3A_82 = arith.divf %div3A_81, %add3A_79 : vector<256x1xf32>
      %swap3A_83 = arith.constant 0 : index
      %swap3A_84 = arith.constant 0 : index
      %swap3A_85 = vector.load %arg5[%swap3A_83, %swap3A_84] : memref<256x1xf32, #tpu.memory_space<vmem>>, vector<256x1xf32>
      tpu.vector_store %arg5[%swap3A_83, %swap3A_84], %div3A_82 {strides = array<i32>} : memref<256x1xf32, #tpu.memory_space<vmem>>, vector<256x1xf32>,
      %eq3A_86 = vector.broadcast %broadcast_in_dim3A_45 : vector<256x1xi32> to vector<256x16xi32>
      %eq3A_87 = arith.cmpi eq, %iota3A, %eq3A_86 : vector<256x16xi32>
      %convert_element_type3A_88 = arith.extui %eq3A_87 : vector<256x16xi1> to vector<256x16xi32>
      %convert_element_type3A_89 = arith.sitofp %convert_element_type3A_88 : vector<256x16xi32> to vector<256x16xf32>
      %convert_element_type3A_90 = arith.extui %eq3A_87 : vector<256x16xi1> to vector<256x16xi32>
      %convert_element_type3A_91 = arith.sitofp %convert_element_type3A_90 : vector<256x16xi32> to vector<256x16xf32>
      %convert_element_type3A_92 = arith.truncf %convert_element_type3A_91 : vector<256x16xf32> to vector<256x16xbf16>
      %iota3A_93 = tpu.iota {dimensions = array<i32: 0>} : vector<256x256xi32>
      %iota3A_94 = tpu.iota {dimensions = array<i32: 1>} : vector<256x256xi32>
      %gt3A = arith.cmpi sgt, %iota3A_93, %iota3A_94 : vector<256x256xi32>
      %convert_element_type3A_95 = arith.extui %gt3A : vector<256x256xi1> to vector<256x256xi32>
      %convert_element_type3A_96 = arith.sitofp %convert_element_type3A_95 : vector<256x256xi32> to vector<256x256xf32>
      %convert_element_type3A_97 = arith.truncf %convert_element_type3A_96 : vector<256x256xf32> to vector<256x256xbf16>
      %dot_general3A_98 = arith.constant dense<0.000000e+00> : vector<256x16xf32>
      %dot_general3A_99 = tpu.matmul %convert_element_type3A_97, %convert_element_type3A_92, %dot_general3A_98 {dimension_numbers = #tpu.dot_dimension_numbers<[1], [0], [0], [1], [0, 0, 1, 1], [], []>, transpose_lhs_hint = false} : vector<256x256xbf16>, vector<256x16xbf16>, vector<256x16xf32> -> vector<256x16xf32>
      %get3A_100 = arith.constant 0 : index
      %get3A_101 = arith.constant 0 : index
      %get3A_102 = vector.load %arg9[%get3A_100, %get3A_101] : memref<1x16xf32, #tpu.memory_space<vmem>>, vector<1x16xf32>
      %add3A_103 = vector.broadcast %get3A_102 : vector<1x16xf32> to vector<256x16xf32>
      %add3A_104 = arith.addf %dot_general3A_99, %add3A_103 : vector<256x16xf32>
      %mul3A_105 = arith.mulf %add3A_104, %convert_element_type3A_89 : vector<256x16xf32>
      %reduce_sum3A = arith.constant dense<0.000000e+00> : vector<256xf32>
      %reduce_sum3A_106 = vector.multi_reduction <add>, %mul3A_105, %reduce_sum3A [1] : vector<256x16xf32> to vector<256xf32>
      %broadcast_in_dim3A_107 = vector.shape_cast %reduce_sum3A_106 : vector<256xf32> to vector<256x1xf32>
      %get3A_108 = arith.constant 0 : index
      %get3A_109 = arith.constant 0 : index
      %get3A_110 = vector.load %arg9[%get3A_108, %get3A_109] : memref<1x16xf32, #tpu.memory_space<vmem>>, vector<1x16xf32>
      %reduce_sum3A_111 = arith.constant dense<0.000000e+00> : vector<16xf32>
      %reduce_sum3A_112 = vector.multi_reduction <add>, %convert_element_type3A_89, %reduce_sum3A_111 [0] : vector<256x16xf32> to vector<16xf32>
      %broadcast_in_dim3A_113 = vector.shape_cast %reduce_sum3A_112 : vector<16xf32> to vector<1x16xf32>
      %add3A_114 = arith.addf %get3A_110, %broadcast_in_dim3A_113 : vector<1x16xf32>
      %swap3A_115 = arith.constant 0 : index
      %swap3A_116 = arith.constant 0 : index
      %swap3A_117 = vector.load %arg9[%swap3A_115, %swap3A_116] : memref<1x16xf32, #tpu.memory_space<vmem>>, vector<1x16xf32>
      tpu.vector_store %arg9[%swap3A_115, %swap3A_116], %add3A_114 {strides = array<i32>} : memref<1x16xf32, #tpu.memory_space<vmem>>, vector<1x16xf32>,
      %convert_element_type3A_118 = arith.fptosi %broadcast_in_dim3A_107 : vector<256x1xf32> to vector<256x1xi32>
      %lt3A_119 = arith.constant 320 : i32
      %lt3A_120 = vector.broadcast %lt3A_119 : i32 to vector<256x1xi32>
      %lt3A_121 = arith.cmpi slt, %convert_element_type3A_118, %lt3A_120 : vector<256x1xi32>
      %mul3A_122 = arith.constant 320 : i32
      %mul3A_123 = vector.broadcast %mul3A_122 : i32 to vector<256x1xi32>
      %mul3A_124 = arith.muli %broadcast_in_dim3A_45, %mul3A_123 : vector<256x1xi32>
      %add3A_125 = arith.addi %mul3A_124, %convert_element_type3A_118 : vector<256x1xi32>
      %jit3A_126 = arith.constant -1 : i32
      %broadcast_in_dim3A_127 = vector.broadcast %jit3A_126 : i32 to vector<256x1xi32>
      %select_n3A_128 = arith.select %lt3A_121, %add3A_125, %broadcast_in_dim3A_127 : vector<256x1xi1>, vector<256x1xi32>
      %swap3A_129 = arith.constant 0 : index
      %swap3A_130 = arith.constant 0 : index
      %swap3A_131 = vector.load %arg4[%swap3A_129, %swap3A_130] : memref<256x1xi32, #tpu.memory_space<vmem>>, vector<256x1xi32>
      tpu.vector_store %arg4[%swap3A_129, %swap3A_130], %select_n3A_128 {strides = array<i32>} : memref<256x1xi32, #tpu.memory_space<vmem>>, vector<256x1xi32>,
      %transpose3A = tpu.transpose %select_n3A_128, [1, 0] : vector<256x1xi32> -> vector<1x256xi32>
      %reshape3A_132 = vector.shape_cast %transpose3A : vector<1x256xi32> to vector<1x1x256xi32>
      %swap3A_133 = arith.constant 0 : index
      %swap3A_134 = arith.constant 0 : index
      %swap3A_135 = arith.constant 0 : index
      %swap3A_136 = vector.load %arg6[%swap3A_133, %swap3A_134, %swap3A_135] : memref<1x1x256xi32, #tpu.memory_space<vmem>>, vector<1x1x256xi32>
      tpu.vector_store %arg6[%swap3A_133, %swap3A_134, %swap3A_135], %reshape3A_132 {strides = array<i32>} : memref<1x1x256xi32, #tpu.memory_space<vmem>>, vector<1x1x256xi32>,
      %transpose3A_137 = tpu.transpose %div3A_82, [1, 0] : vector<256x1xf32> -> vector<1x256xf32>
      %reshape3A_138 = vector.shape_cast %transpose3A_137 : vector<1x256xf32> to vector<1x1x256xf32>
      %swap3A_139 = arith.constant 0 : index
      %swap3A_140 = arith.constant 0 : index
      %swap3A_141 = arith.constant 0 : index
      %swap3A_142 = vector.load %arg7[%swap3A_139, %swap3A_140, %swap3A_141] : memref<1x1x256xf32, #tpu.memory_space<vmem>>, vector<1x1x256xf32>
      tpu.vector_store %arg7[%swap3A_139, %swap3A_140, %swap3A_141], %reshape3A_138 {strides = array<i32>} : memref<1x1x256xf32, #tpu.memory_space<vmem>>, vector<1x1x256xf32>,
    } else {
    }
    %not3A = arith.constant true
    %not3A_24 = arith.xori %lt3A_0, %not3A : i1
    %convert_element_type3A_25 = arith.extui %not3A_24 : i1 to i32
    %cond3A_26 = arith.constant 0 : i32
    %cond3A_27 = arith.cmpi ne, %convert_element_type3A_25, %cond3A_26 : i32
    scf.if %cond3A_27 {
      %get3A_28 = arith.index_cast %mul3A_10 : i32 to index
      %get3A_29 = arith.constant 0 : index
      %get3A_30 = vector.load %arg11[%get3A_28, %get3A_29] : memref<2048x1xi32, #tpu.memory_space<vmem>>, vector<256x1xi32>
      %get3A_31 = arith.index_cast %mul3A_10 : i32 to index
      %get3A_32 = arith.constant 0 : index
      %get3A_33 = vector.load %arg10[%get3A_31, %get3A_32] : memref<2048x16xf32, #tpu.memory_space<vmem>>, vector<256x16xf32>
      %swap3A_34 = arith.constant 0 : index
      %swap3A_35 = arith.constant 0 : index
      %swap3A_36 = vector.load %arg3[%swap3A_34, %swap3A_35] : memref<256x16xf32, #tpu.memory_space<vmem>>, vector<256x16xf32>
      tpu.vector_store %arg3[%swap3A_34, %swap3A_35], %get3A_33 {strides = array<i32>} : memref<256x16xf32, #tpu.memory_space<vmem>>, vector<256x16xf32>,
      %get3A_37 = arith.index_cast %mul3A_10 : i32 to index
      %get3A_38 = arith.constant 0 : index
      %get3A_39 = vector.load %arg12[%get3A_37, %get3A_38] : memref<2048x1xf32, #tpu.memory_space<vmem>>, vector<256x1xf32>
      %swap3A_40 = arith.constant 0 : index
      %swap3A_41 = arith.constant 0 : index
      %swap3A_42 = vector.load %arg5[%swap3A_40, %swap3A_41] : memref<256x1xf32, #tpu.memory_space<vmem>>, vector<256x1xf32>
      tpu.vector_store %arg5[%swap3A_40, %swap3A_41], %get3A_39 {strides = array<i32>} : memref<256x1xf32, #tpu.memory_space<vmem>>, vector<256x1xf32>,
      %eq3A_43 = vector.broadcast %get3A_30 : vector<256x1xi32> to vector<256x16xi32>
      %eq3A_44 = arith.cmpi eq, %iota3A, %eq3A_43 : vector<256x16xi32>
      %convert_element_type3A_45 = arith.extui %eq3A_44 : vector<256x16xi1> to vector<256x16xi32>
      %convert_element_type3A_46 = arith.sitofp %convert_element_type3A_45 : vector<256x16xi32> to vector<256x16xf32>
      %convert_element_type3A_47 = arith.extui %eq3A_44 : vector<256x16xi1> to vector<256x16xi32>
      %convert_element_type3A_48 = arith.sitofp %convert_element_type3A_47 : vector<256x16xi32> to vector<256x16xf32>
      %convert_element_type3A_49 = arith.truncf %convert_element_type3A_48 : vector<256x16xf32> to vector<256x16xbf16>
      %iota3A_50 = tpu.iota {dimensions = array<i32: 0>} : vector<256x256xi32>
      %iota3A_51 = tpu.iota {dimensions = array<i32: 1>} : vector<256x256xi32>
      %gt3A = arith.cmpi sgt, %iota3A_50, %iota3A_51 : vector<256x256xi32>
      %convert_element_type3A_52 = arith.extui %gt3A : vector<256x256xi1> to vector<256x256xi32>
      %convert_element_type3A_53 = arith.sitofp %convert_element_type3A_52 : vector<256x256xi32> to vector<256x256xf32>
      %convert_element_type3A_54 = arith.truncf %convert_element_type3A_53 : vector<256x256xf32> to vector<256x256xbf16>
      %dot_general3A = arith.constant dense<0.000000e+00> : vector<256x16xf32>
      %dot_general3A_55 = tpu.matmul %convert_element_type3A_54, %convert_element_type3A_49, %dot_general3A {dimension_numbers = #tpu.dot_dimension_numbers<[1], [0], [0], [1], [0, 0, 1, 1], [], []>, transpose_lhs_hint = false} : vector<256x256xbf16>, vector<256x16xbf16>, vector<256x16xf32> -> vector<256x16xf32>
      %get3A_56 = arith.constant 0 : index
      %get3A_57 = arith.constant 0 : index
      %get3A_58 = vector.load %arg9[%get3A_56, %get3A_57] : memref<1x16xf32, #tpu.memory_space<vmem>>, vector<1x16xf32>
      %add3A_59 = vector.broadcast %get3A_58 : vector<1x16xf32> to vector<256x16xf32>
      %add3A_60 = arith.addf %dot_general3A_55, %add3A_59 : vector<256x16xf32>
      %mul3A_61 = arith.mulf %add3A_60, %convert_element_type3A_46 : vector<256x16xf32>
      %reduce_sum3A = arith.constant dense<0.000000e+00> : vector<256xf32>
      %reduce_sum3A_62 = vector.multi_reduction <add>, %mul3A_61, %reduce_sum3A [1] : vector<256x16xf32> to vector<256xf32>
      %broadcast_in_dim3A_63 = vector.shape_cast %reduce_sum3A_62 : vector<256xf32> to vector<256x1xf32>
      %get3A_64 = arith.constant 0 : index
      %get3A_65 = arith.constant 0 : index
      %get3A_66 = vector.load %arg9[%get3A_64, %get3A_65] : memref<1x16xf32, #tpu.memory_space<vmem>>, vector<1x16xf32>
      %reduce_sum3A_67 = arith.constant dense<0.000000e+00> : vector<16xf32>
      %reduce_sum3A_68 = vector.multi_reduction <add>, %convert_element_type3A_46, %reduce_sum3A_67 [0] : vector<256x16xf32> to vector<16xf32>
      %broadcast_in_dim3A_69 = vector.shape_cast %reduce_sum3A_68 : vector<16xf32> to vector<1x16xf32>
      %add3A_70 = arith.addf %get3A_66, %broadcast_in_dim3A_69 : vector<1x16xf32>
      %swap3A_71 = arith.constant 0 : index
      %swap3A_72 = arith.constant 0 : index
      %swap3A_73 = vector.load %arg9[%swap3A_71, %swap3A_72] : memref<1x16xf32, #tpu.memory_space<vmem>>, vector<1x16xf32>
      tpu.vector_store %arg9[%swap3A_71, %swap3A_72], %add3A_70 {strides = array<i32>} : memref<1x16xf32, #tpu.memory_space<vmem>>, vector<1x16xf32>,
      %convert_element_type3A_74 = arith.fptosi %broadcast_in_dim3A_63 : vector<256x1xf32> to vector<256x1xi32>
      %lt3A_75 = arith.constant 320 : i32
      %lt3A_76 = vector.broadcast %lt3A_75 : i32 to vector<256x1xi32>
      %lt3A_77 = arith.cmpi slt, %convert_element_type3A_74, %lt3A_76 : vector<256x1xi32>
      %mul3A_78 = arith.constant 320 : i32
      %mul3A_79 = vector.broadcast %mul3A_78 : i32 to vector<256x1xi32>
      %mul3A_80 = arith.muli %get3A_30, %mul3A_79 : vector<256x1xi32>
      %add3A_81 = arith.addi %mul3A_80, %convert_element_type3A_74 : vector<256x1xi32>
      %jit3A_82 = arith.constant -1 : i32
      %broadcast_in_dim3A_83 = vector.broadcast %jit3A_82 : i32 to vector<256x1xi32>
      %select_n3A_84 = arith.select %lt3A_77, %add3A_81, %broadcast_in_dim3A_83 : vector<256x1xi1>, vector<256x1xi32>
      %swap3A_85 = arith.constant 0 : index
      %swap3A_86 = arith.constant 0 : index
      %swap3A_87 = vector.load %arg4[%swap3A_85, %swap3A_86] : memref<256x1xi32, #tpu.memory_space<vmem>>, vector<256x1xi32>
      tpu.vector_store %arg4[%swap3A_85, %swap3A_86], %select_n3A_84 {strides = array<i32>} : memref<256x1xi32, #tpu.memory_space<vmem>>, vector<256x1xi32>,
      %transpose3A = tpu.transpose %select_n3A_84, [1, 0] : vector<256x1xi32> -> vector<1x256xi32>
      %reshape3A_88 = vector.shape_cast %transpose3A : vector<1x256xi32> to vector<1x1x256xi32>
      %swap3A_89 = arith.constant 0 : index
      %swap3A_90 = arith.constant 0 : index
      %swap3A_91 = arith.constant 0 : index
      %swap3A_92 = vector.load %arg6[%swap3A_89, %swap3A_90, %swap3A_91] : memref<1x1x256xi32, #tpu.memory_space<vmem>>, vector<1x1x256xi32>
      tpu.vector_store %arg6[%swap3A_89, %swap3A_90, %swap3A_91], %reshape3A_88 {strides = array<i32>} : memref<1x1x256xi32, #tpu.memory_space<vmem>>, vector<1x1x256xi32>,
      %transpose3A_93 = tpu.transpose %get3A_39, [1, 0] : vector<256x1xf32> -> vector<1x256xf32>
      %reshape3A_94 = vector.shape_cast %transpose3A_93 : vector<1x256xf32> to vector<1x1x256xf32>
      %swap3A_95 = arith.constant 0 : index
      %swap3A_96 = arith.constant 0 : index
      %swap3A_97 = arith.constant 0 : index
      %swap3A_98 = vector.load %arg7[%swap3A_95, %swap3A_96, %swap3A_97] : memref<1x1x256xf32, #tpu.memory_space<vmem>>, vector<1x1x256xf32>
      tpu.vector_store %arg7[%swap3A_95, %swap3A_96, %swap3A_97], %reshape3A_94 {strides = array<i32>} : memref<1x1x256xf32, #tpu.memory_space<vmem>>, vector<1x1x256xf32>,
    } else {
    }
    return
  }
  func.func @transform_0(%arg0: i32) -> (i32, i32) {
    %lt3A = arith.constant 8 : i32
    %lt3A_0 = arith.cmpi slt, %arg0, %lt3A : i32
    %jit3A = arith.constant 0 : i32
    %select_n3A = arith.select %lt3A_0, %arg0, %jit3A : i32
    %c0_i32 = arith.constant 0 : i32
    %c0_i32_1 = arith.constant 0 : i32
    return %select_n3A, %c0_i32 : i32, i32
  }
  func.func @transform_1(%arg0: i32) -> (i32, i32) {
    %c0_i32 = arith.constant 0 : i32
    %c0_i32_0 = arith.constant 0 : i32
    %c0_i32_1 = arith.constant 0 : i32
    return %c0_i32, %c0_i32_0 : i32, i32
  }
  func.func @transform_2(%arg0: i32) -> (i32, i32) {
    %jit3A = arith.constant 8 : i32
    %eq3A = arith.constant 0 : i32
    %eq3A_0 = arith.cmpi eq, %jit3A, %eq3A : i32
    %jit3A_1 = arith.constant 1 : i32
    %select_n3A = arith.select %eq3A_0, %jit3A_1, %jit3A : i32
    %rem3A = arith.remsi %arg0, %select_n3A : i32
    %ne3A = arith.constant 0 : i32
    %ne3A_2 = arith.cmpi ne, %rem3A, %ne3A : i32
    %lt3A = arith.constant 0 : i32
    %lt3A_3 = arith.cmpi slt, %rem3A, %lt3A : i32
    %lt3A_4 = arith.constant 0 : i32
    %lt3A_5 = arith.cmpi slt, %select_n3A, %lt3A_4 : i32
    %ne3A_6 = arith.xori %lt3A_3, %lt3A_5 : i1
    %and3A = arith.andi %ne3A_6, %ne3A_2 : i1
    %add3A = arith.addi %rem3A, %select_n3A : i32
    %select_n3A_7 = arith.select %and3A, %add3A, %rem3A : i32
    %c0_i32 = arith.constant 0 : i32
    %c0_i32_8 = arith.constant 0 : i32
    return %select_n3A_7, %c0_i32 : i32, i32
  }
  func.func @transform_3(%arg0: i32) -> (i32, i32) {
    %c0_i32 = arith.constant 0 : i32
    %c0_i32_0 = arith.constant 0 : i32
    return %arg0, %c0_i32 : i32, i32
  }
  func.func @transform_4(%arg0: i32) -> (i32, i32) {
    %c0_i32 = arith.constant 0 : i32
    %c0_i32_0 = arith.constant 0 : i32
    return %arg0, %c0_i32 : i32, i32
  }
  func.func @transform_5(%arg0: i32) -> (i32, i32, i32) {
    %c0_i32 = arith.constant 0 : i32
    %c0_i32_0 = arith.constant 0 : i32
    %c0_i32_1 = arith.constant 0 : i32
    return %arg0, %c0_i32, %c0_i32_0 : i32, i32, i32
  }
  func.func @transform_6(%arg0: i32) -> (i32, i32, i32) {
    %c0_i32 = arith.constant 0 : i32
    %c0_i32_0 = arith.constant 0 : i32
    %c0_i32_1 = arith.constant 0 : i32
    return %arg0, %c0_i32, %c0_i32_0 : i32, i32, i32
  }
  func.func @transform_7(%arg0: i32) -> (i32, i32, i32) {
    %lt3A = arith.constant 8 : i32
    %lt3A_0 = arith.cmpi slt, %arg0, %lt3A : i32
    %jit3A = arith.constant 8 : i32
    %select_n3A = arith.select %lt3A_0, %arg0, %jit3A : i32
    %c0_i32 = arith.constant 0 : i32
    %c0_i32_1 = arith.constant 0 : i32
    %c0_i32_2 = arith.constant 0 : i32
    return %select_n3A, %c0_i32, %c0_i32_1 : i32, i32, i32
  }
}

module attributes {stable_mosaic.version = 14 : i64} {
  func.func @_dense_body(%arg0: i32, %arg1: memref<1x1x256xi32, #tpu.memory_space<vmem>>, %arg2: memref<1x1x256xi32, #tpu.memory_space<vmem>>, %arg3: memref<1x1x256xf32, #tpu.memory_space<vmem>>, %arg4: memref<1x1x256xf32, #tpu.memory_space<vmem>>, %arg5: memref<16x320x256xf32, #tpu.memory_space<vmem>>, %arg6: memref<16x320x256xi8, #tpu.memory_space<vmem>>) attributes {dimension_semantics = [#tpu.dimension_semantics<arbitrary>], iteration_bounds = array<i64: 8>, scalar_prefetch = 0 : i64, scratch_operands = 0 : i64, tpu.core_type = #tpu.core_type<tc>, window_params = [{transform_indices = @transform_0, window_bounds = array<i64: 1, 1, 256>}, {transform_indices = @transform_1, window_bounds = array<i64: 1, 1, 256>}, {transform_indices = @transform_2, window_bounds = array<i64: 1, 1, 256>}, {transform_indices = @transform_3, window_bounds = array<i64: 1, 1, 256>}, {transform_indices = @transform_4, window_bounds = array<i64: 16, 320, 256>}, {transform_indices = @transform_5, window_bounds = array<i64: 16, 320, 256>}]} {
    %iota3A = tpu.iota {dimensions = array<i32: 0>} : vector<16x320x256xi32>
    %mul3A = arith.constant 320 : i32
    %mul3A_0 = vector.broadcast %mul3A : i32 to vector<16x320x256xi32>
    %mul3A_1 = arith.muli %iota3A, %mul3A_0 : vector<16x320x256xi32>
    %iota3A_2 = tpu.iota {dimensions = array<i32: 1>} : vector<16x320x256xi32>
    %add3A = arith.addi %mul3A_1, %iota3A_2 : vector<16x320x256xi32>
    %get3A = arith.constant 0 : index
    %get3A_3 = arith.constant 0 : index
    %get3A_4 = arith.constant 0 : index
    %get3A_5 = vector.load %arg1[%get3A, %get3A_3, %get3A_4] : memref<1x1x256xi32, #tpu.memory_space<vmem>>, vector<1x1x256xi32>
    %get3A_6 = arith.constant 0 : index
    %get3A_7 = arith.constant 0 : index
    %get3A_8 = arith.constant 0 : index
    %get3A_9 = vector.load %arg2[%get3A_6, %get3A_7, %get3A_8] : memref<1x1x256xi32, #tpu.memory_space<vmem>>, vector<1x1x256xi32>
    %broadcast_in_dim3A = arith.constant 0.000000e+00 : f32
    %broadcast_in_dim3A_10 = vector.broadcast %broadcast_in_dim3A : f32 to vector<16x320x256xf32>
    %eq3A = vector.broadcast %get3A_5 : vector<1x1x256xi32> to vector<16x320x256xi32>
    %eq3A_11 = arith.cmpi eq, %add3A, %eq3A : vector<16x320x256xi32>
    %get3A_12 = arith.constant 0 : index
    %get3A_13 = arith.constant 0 : index
    %get3A_14 = arith.constant 0 : index
    %get3A_15 = vector.load %arg3[%get3A_12, %get3A_13, %get3A_14] : memref<1x1x256xf32, #tpu.memory_space<vmem>>, vector<1x1x256xf32>
    %broadcast_in_dim3A_16 = vector.shape_cast %get3A_15 : vector<1x1x256xf32> to vector<1x1x256xf32>
    %broadcast_in_dim3A_17 = vector.broadcast %broadcast_in_dim3A_16 : vector<1x1x256xf32> to vector<16x320x256xf32>
    %select_n3A = arith.select %eq3A_11, %broadcast_in_dim3A_17, %broadcast_in_dim3A_10 : vector<16x320x256xi1>, vector<16x320x256xf32>
    %eq3A_18 = vector.broadcast %get3A_9 : vector<1x1x256xi32> to vector<16x320x256xi32>
    %eq3A_19 = arith.cmpi eq, %add3A, %eq3A_18 : vector<16x320x256xi32>
    %get3A_20 = arith.constant 0 : index
    %get3A_21 = arith.constant 0 : index
    %get3A_22 = arith.constant 0 : index
    %get3A_23 = vector.load %arg4[%get3A_20, %get3A_21, %get3A_22] : memref<1x1x256xf32, #tpu.memory_space<vmem>>, vector<1x1x256xf32>
    %broadcast_in_dim3A_24 = vector.shape_cast %get3A_23 : vector<1x1x256xf32> to vector<1x1x256xf32>
    %broadcast_in_dim3A_25 = vector.broadcast %broadcast_in_dim3A_24 : vector<1x1x256xf32> to vector<16x320x256xf32>
    %select_n3A_26 = arith.select %eq3A_19, %broadcast_in_dim3A_25, %broadcast_in_dim3A_10 : vector<16x320x256xi1>, vector<16x320x256xf32>
    %add3A_27 = arith.addf %select_n3A, %select_n3A_26 : vector<16x320x256xf32>
    %swap3A = arith.constant 0 : index
    %swap3A_28 = arith.constant 0 : index
    %swap3A_29 = arith.constant 0 : index
    %swap3A_30 = vector.load %arg5[%swap3A, %swap3A_28, %swap3A_29] : memref<16x320x256xf32, #tpu.memory_space<vmem>>, vector<16x320x256xf32>
    tpu.vector_store %arg5[%swap3A, %swap3A_28, %swap3A_29], %add3A_27 {strides = array<i32>} : memref<16x320x256xf32, #tpu.memory_space<vmem>>, vector<16x320x256xf32>,
    %ne3A = arith.constant 0.000000e+00 : f32
    %ne3A_31 = vector.broadcast %ne3A : f32 to vector<16x320x256xf32>
    %ne3A_32 = arith.cmpf one, %add3A_27, %ne3A_31 : vector<16x320x256xf32>
    %convert_element_type3A = arith.extui %ne3A_32 : vector<16x320x256xi1> to vector<16x320x256xi8>
    %swap3A_33 = arith.constant 0 : index
    %swap3A_34 = arith.constant 0 : index
    %swap3A_35 = arith.constant 0 : index
    %swap3A_36 = vector.load %arg6[%swap3A_33, %swap3A_34, %swap3A_35] : memref<16x320x256xi8, #tpu.memory_space<vmem>>, vector<16x320x256xi8>
    tpu.vector_store %arg6[%swap3A_33, %swap3A_34, %swap3A_35], %convert_element_type3A {strides = array<i32>} : memref<16x320x256xi8, #tpu.memory_space<vmem>>, vector<16x320x256xi8>,
    return
  }
  func.func @transform_0(%arg0: i32) -> (i32, i32, i32) {
    %c0_i32 = arith.constant 0 : i32
    %c0_i32_0 = arith.constant 0 : i32
    %c0_i32_1 = arith.constant 0 : i32
    return %arg0, %c0_i32, %c0_i32_0 : i32, i32, i32
  }
  func.func @transform_1(%arg0: i32) -> (i32, i32, i32) {
    %add3A = arith.constant 8 : i32
    %add3A_0 = arith.addi %arg0, %add3A : i32
    %c0_i32 = arith.constant 0 : i32
    %c0_i32_1 = arith.constant 0 : i32
    %c0_i32_2 = arith.constant 0 : i32
    return %add3A_0, %c0_i32, %c0_i32_1 : i32, i32, i32
  }
  func.func @transform_2(%arg0: i32) -> (i32, i32, i32) {
    %c0_i32 = arith.constant 0 : i32
    %c0_i32_0 = arith.constant 0 : i32
    %c0_i32_1 = arith.constant 0 : i32
    return %arg0, %c0_i32, %c0_i32_0 : i32, i32, i32
  }
  func.func @transform_3(%arg0: i32) -> (i32, i32, i32) {
    %add3A = arith.constant 8 : i32
    %add3A_0 = arith.addi %arg0, %add3A : i32
    %c0_i32 = arith.constant 0 : i32
    %c0_i32_1 = arith.constant 0 : i32
    %c0_i32_2 = arith.constant 0 : i32
    return %add3A_0, %c0_i32, %c0_i32_1 : i32, i32, i32
  }
  func.func @transform_4(%arg0: i32) -> (i32, i32, i32) {
    %c0_i32 = arith.constant 0 : i32
    %c0_i32_0 = arith.constant 0 : i32
    %c0_i32_1 = arith.constant 0 : i32
    return %c0_i32, %c0_i32_0, %arg0 : i32, i32, i32
  }
  func.func @transform_5(%arg0: i32) -> (i32, i32, i32) {
    %c0_i32 = arith.constant 0 : i32
    %c0_i32_0 = arith.constant 0 : i32
    %c0_i32_1 = arith.constant 0 : i32
    return %c0_i32, %c0_i32_0, %arg0 : i32, i32, i32
  }
}

</mosaic_0001>

<sc_bundles>
// kernel: kernel.5.cloned.1.call-start
scs
__scs_entry_jumppad:
0x0: {  	(pc) =	sbr.rel $0x88, $3  }
0x1: {  	(tag) =	ssettag $0x0;
	lr =	simm.s32 $0x1  }
0x2: {  	[smem:$0x3F9F] =	sst lr;
	_ =	strace $0xD0000000  }
0x3: {  	_ = 	snop  }
0x4: {  	_ = 	snop  }
0x5: {  	_ = 	snop  }
0x6: {  	_ = 	snop  }
0x7: {  	_ = 	snop  }
__scs_overlays_trampoline_lowered:
0x8: {  	[smem:$0x3FAE] =	sst s0  }
0x9: {  	[smem:$0x3FAF] =	sst s1  }
0xa: {  	[smem:$0x3FB0] =	sst s2  }
0xb: {  	[smem:$0x3FB1] =	sst s3  }
0xc: {  	[smem:$0x3FB2] =	sst s4  }
0xd: {  	[smem:$0x3FB3] =	sst s5  }
0xe: {  	[smem:$0x3FB4] =	sst s6  }
0xf: {  	[smem:$0x3FB5] =	sst s7  }
0x10: {  	[smem:$0x3FB6] =	sst s8  }
0x11: {  	[smem:$0x3FB7] =	sst s9;
	s0 =	simm.s32 @!p0 $0x0  }
0x12: {  	s1 =	sld [smem:$0x3F9D];
	s0 =	simm.s32 @p0 $0x1  }
0x13: {  	[smem:$0x3FB8] =	sst s0;
	s0 =	simm.s32 @!p1 $0x0  }
0x14: {  	s2 =	sld [smem:$0x3F9C];
	s0 =	simm.s32 @p1 $0x1  }
0x15: {  	[smem:$0x3FB9] =	sst s0;
	s0 =	simm.s32 @!p2 $0x0  }
0x16: {  	s3 =	sld [smem:$0x3FDB];
	s0 =	simm.s32 @p2 $0x1  }
0x17: {  	s4 =	simm.s32 $0x1BF5;
	[smem:$0x3FBB] =	sst s0  }
0x18: {  	s0 =	sld [smem:$0x3F9E];
	_ =	swait.ge [sflag:s4], $0x0  }
0x19: {  	s7 =	sld [smem:$0x3F9F]  }
0x1a: {  	s8 =	sadd.s32 $0xFFFFE003, lr  }
0x1b: {  	s9 =	sadd.s32 $0xFFFFFEF7, lr;
	s5 =	simm.s32 $0xFFFFFFFF;
	p2 =	slt.u32 s8, $0xFFFFF086  }
0x1c: {  	p1 =	slt.u32 s9, $0xF7A;
	s5 =	simm.s32 @!p2 $0x0  }
0x1d: {  	s5 =	simm.s32 @p1 $0x1;
	p0 =	seq.s32 s7, s2  }
0x1e: {  	s7 =	smul.u32 @!p0 $0xF7A, s2;
	p2 =	seq.s32 @!p0 s5, $0x0  }
0x1f: {  	s9 =	smul.u32 $0xF7A, s1;
	s8 =	simm.s32 @!p0 $0x1BF5;
	p2 =	por !p2, p0  }
0x20: {  	[sflag:s8] =	ssyncset.s32 @!p0 $0xFFFFF086;
	s6 =	sadd.s32 @!p0 s3, s7;
	s7 =	simm.s32 @!p0 $0x108  }
0x21: {  	s3 =	sadd.s32 s3, s9;
	s6 =	sadd.s32 @!p0 $0x88, s6;
	s7 =	simm.s32 @p2 $0x1082  }
0x22: {  	[simem:s7], [sflag:s8] =	dma.local @!p0 [hbm:s6], $0xF7A  }
0x23: {  	s9 =	sor.u32 $0xD0000000, s2;
	s6 =	simm.s32 $0x108;
	_ =	swait.ge @!p0 [sflag:s8], $0x0  }
0x24: {  	s3 =	sadd.s32 $0x88, s3;
	s6 =	simm.s32 @!p1 $0x1082;
	[sflag:s4] =	ssyncset.s32 $0xFFFFF086  }
0x25: {  	[simem:s6], [sflag:s4] =	dma.local [hbm:s3], $0xF7A  }
0x26: {  	[smem:$0x3F9F] =	sst s1;
	(tag) =	ssettag s2;
	_ =	strace s9  }
0x27: {  	s1 =	sld [smem:$0x3FAF]  }
0x28: {  	s2 =	sld [smem:$0x3FB0]  }
0x29: {  	s4 =	sld [smem:$0x3FB2]  }
0x2a: {  	p0 =	seq.s32 s5, $0x0;
	s5 =	sld [smem:$0x3FB3]  }
0x2b: {  	s6 =	sld [smem:$0x3FB4]  }
0x2c: {  	s7 =	sld [smem:$0x3FB5]  }
0x2d: {  	s3 =	simm.s32 $0x108;
	s8 =	sld [smem:$0x3FB6]  }
0x2e: {  	s3 =	simm.s32 @!p0 $0x1082;
	s9 =	sld [smem:$0x3FB7]  }
0x2f: {  	lr =	sadd.s32 s0, s3;
	s0 =	sld [smem:$0x3FAE]  }
0x30: {  	s3 =	sld [smem:$0x3FB1]  }
0x31: {  	[smem:$0x3FBA] =	sst s10  }
0x32: {  	s10 =	sld [smem:$0x3FB8];
	_ =	sdelay $0x3  }
0x33: {  	p0 =	seq.s32 s10, $0x1;
	s10 =	sld [smem:$0x3FBA];
	_ =	sdelay $0x3  }
0x34: {  	[smem:$0x3FBA] =	sst s10  }
0x35: {  	s10 =	sld [smem:$0x3FB9];
	_ =	sdelay $0x3  }
0x36: {  	p1 =	seq.s32 s10, $0x1;
	s10 =	sld [smem:$0x3FBA];
	_ =	sdelay $0x3  }
0x37: {  	[smem:$0x3FBA] =	sst s10  }
0x38: {  	s10 =	sld [smem:$0x3FBB]  }
0x39: {  	_ = 	snop;
	(pc) =	sbr.ind lr, $3  }
0x3a: {  	_ = 	snop  }
0x3b: {  	_ = 	snop  }
0x3c: {  	p2 =	seq.s32 s10, $0x1;
	s10 =	sld [smem:$0x3FBA]  }
0x3d: {  	_ =	shalt  }
0x3e: {  	_ =	shalt  }
0x3f: {  	_ =	shalt  }
0x40: {  	_ =	shalt  }
0x41: {  	_ =	shalt  }
0x42: {  	_ =	shalt  }
0x43: {  	_ =	shalt  }
0x44: {  	_ =	shalt  }
0x45: {  	_ =	shalt  }
0x46: {  	_ =	shalt  }
0x47: {  	_ =	shalt  }
0x48: {  	_ =	shalt  }
0x49: {  	_ =	shalt  }
0x4a: {  	_ =	shalt  }
0x4b: {  	_ =	shalt  }
0x4c: {  	_ =	shalt  }
0x4d: {  	_ =	shalt  }
0x4e: {  	_ =	shalt  }
0x4f: {  	_ =	shalt  }
0x50: {  	_ =	shalt  }
0x51: {  	_ =	shalt  }
0x52: {  	_ =	shalt  }
0x53: {  	_ =	shalt  }
0x54: {  	_ =	shalt  }
0x55: {  	_ =	shalt  }
0x56: {  	_ =	shalt  }
0x57: {  	_ =	shalt  }
0x58: {  	_ =	shalt  }
0x59: {  	_ =	shalt  }
0x5a: {  	_ =	shalt  }
0x5b: {  	_ =	shalt  }
0x5c: {  	_ =	shalt  }
0x5d: {  	_ =	shalt  }
0x5e: {  	_ =	shalt  }
0x5f: {  	_ =	shalt  }
0x60: {  	_ =	shalt  }
0x61: {  	_ =	shalt  }
0x62: {  	_ =	shalt  }
0x63: {  	_ =	shalt  }
0x64: {  	_ =	shalt  }
0x65: {  	_ =	shalt  }
0x66: {  	_ =	shalt  }
0x67: {  	_ =	shalt  }
0x68: {  	_ =	shalt  }
0x69: {  	_ =	shalt  }
0x6a: {  	_ =	shalt  }
0x6b: {  	_ =	shalt  }
0x6c: {  	_ =	shalt  }
0x6d: {  	_ =	shalt  }
0x6e: {  	_ =	shalt  }
0x6f: {  	_ =	shalt  }
0x70: {  	_ =	shalt  }
0x71: {  	_ =	shalt  }
0x72: {  	_ =	shalt  }
0x73: {  	_ =	shalt  }
0x74: {  	_ =	shalt  }
0x75: {  	_ =	shalt  }
0x76: {  	_ =	shalt  }
0x77: {  	_ =	shalt  }
0x78: {  	_ =	shalt  }
0x79: {  	_ =	shalt  }
0x7a: {  	_ =	shalt  }
0x7b: {  	_ =	shalt  }
0x7c: {  	_ =	shalt  }
0x7d: {  	_ =	shalt  }
0x7e: {  	_ =	shalt  }
0x7f: {  	_ =	shalt  }
0x80: {  	_ =	shalt  }
0x81: {  	_ =	shalt  }
0x82: {  	_ =	shalt  }
0x83: {  	_ =	shalt  }
0x84: {  	_ =	shalt  }
0x85: {  	_ =	shalt  }
0x86: {  	_ =	shalt  }
0x87: {  	_ =	shalt  }
.Lfunc_end0:
.L_simem_size_0:
called_computation_lowered:
.L_overlay_start_0:
0x88: {  	s0 =	sld [smem:$0x3FD9]  }
0x89: {  	s1 =	sld [smem:$0x3FFE];
	_ =	sdelay $0x3  }
0x8a: {  	s0 =	sadd.s32 s1, s0  }
0x8b: {  	[smem:$0x3FC6] =	sst s0  }
0x8c: {  	_ = 	snop  }
0x8d: {  	s0 =	sld [smem:$0x3FD0];
	_ =	sdelay $0x2  }
0x8e: {  	s13 =	simm.s32 $0xA;
	s2 =	simm.s32 $0x10  }
0x8f: {  	[smem:s2], [sflag:s13] =	dma.local [hbm:s0], $0x1  }
0x90: {  	_ =	swait.eq [sflag:s13], $0x1  }
0x91: {  	[sflag:s13] =	ssyncset.done $0x0  }
0x92: {  	[sflag:s13] =	ssyncadd.s32 $0xFFFFFFFF  }
0x93: {  	s14 =	sld [smem:$0x12];
	(tm) =	ssettm $0x1  }
0x94: {  	s15 =	sld [smem:$0x3FFB];
	_ =	sdelay $0x3  }
0x95: {  	_ =	strace s15  }
0x96: {  	s1 =	sld [smem:$0x3FFC];
	_ =	sdelay $0x3  }
0x97: {  	_ =	strace s1  }
0x98: {  	s1 =	sld [smem:$0x3FFD];
	_ =	sdelay $0x3  }
0x99: {  	_ =	strace s1  }
0x9a: {  	_ =	strace $0x8FFFFFFF  }
0x9b: {  	s16 =	sld [smem:$0x3FDB];
	_ =	sdelay $0x1  }
0x9c: {  	s17 =	simm.s32 $_scs_section_size  }
0x9d: {  	s3 =	simm.s32 $_size__tile_overlayer_lowered;
	s4 =	simm.s32 $_tile_overlayer_lowered  }
0x9e: {  	s20 =	simm.s32 $0x1BFF;
	s19 =	sshll.u32 s4, $0x1;
	s1 =	sadd.s32 s17, s16  }
0x9f: {  	s5 =	simm.s32 $0x0;
	s18 =	sshll.u32 s3, $0x1;
	s3 =	sadd.s32 s19, s1  }
0xa0: {  	[timem:s5], [sflag:s20] =	dma.local [hbm:s3], s18  }
0xa1: {  	_ =	swait.ge [sflag:s20], s18  }
0xa2: {  	s2 =	ssub.s32 $0x0, s18;
	[sflag:s20] =	ssyncset.done $0x0  }
0xa3: {  	[sflag:s20] =	ssyncadd.s32 s2;
	_ =	sdelay $0x1  }
0xa4: {  	s21 =	simm.s32 $0x1B8B  }
0xa5: {  	_ =	swait.ge [sflag:s21], $0x1  }
0xa6: {  	[sflag:s21] =	ssyncset.done $0x0  }
0xa7: {  	s23 =	simm.s32 $0x1B8E;
	s22 =	sld [smem:$0x3FFE];
	[sflag:s21] =	ssyncadd.s32 $0xFFFFFFFF  }
0xa8: {  	s24 =	simm.s32 $execute0_lowered;
	[smem:$0x3FD2] =	sst s23  }
0xa9: {  	s3 =	sshll.u32 s24, $0x1;
	_ =	strace $0x80000046;
	[dreg:$0x1] =	wrdreg $0xFFFFFFFF  }
0xaa: {  	s25 =	simm.s32 $_size_execute0_lowered;
	s1 =	sadd.s32 s1, s3;
	[dreg:$0x0] =	wrdreg $0x0  }
0xab: {  	s3 =	sshll.u32 s25, $0x1;
	[dreg:$0x2] =	wrdreg s1  }
0xac: {  	[dreg:$0x3] =	wrdreg s3  }
0xad: {  	[dreg:$0x4] =	wrdreg $0xC0  }
0xae: {  	_ =	task [dreg:s5], $0x5FFFF  }
0xaf: {  	[dreg:$0x1] =	wrdreg $0xFFFFFFFF  }
0xb0: {  	[dreg:$0x0] =	wrdreg $0x60  }
0xb1: {  	[dreg:$0x2] =	wrdreg s22  }
0xb2: {  	[dreg:$0x3] =	wrdreg s14  }
0xb3: {  	[dreg:$0x4] =	wrdreg $0x146000  }
0xb4: {  	[dreg:$0x5] =	wrdreg $0x9  }
0xb5: {  	_ =	task.clear_ibuf [dreg:s5], $0x6FFFF;
	_ =	strace $0x90000046  }
0xb6: {  	s26 =	simm.s32 $0x9;
	_ =	strace $0x80000048  }
0xb7: {  	_ =	swait.ge [sflag:s26], $0x1  }
0xb8: {  	[sflag:s26] =	ssyncadd.s32 $0xFFFFFFFF  }
0xb9: {  	_ =	strace $0x90000048  }
0xba: {  	_ =	sfence  }
0xbb: {  	s28 =	sld [smem:$0x0];
	_ =	sdelay $0x1  }
0xbc: {  	s29 =	srdreg.scid  }
0xbd: {  	s30 =	sshll.u32 s29, $0xD;
	s31 =	sshrl.u32 s29, $0x2  }
0xbe: {  	s2 =	sand.u32 $0x4000, s30;
	s1 =	sand.u32 $0x1, s29;
	s0 =	sadd.s32 s31, s28  }
0xbf: {  	s1 =	sor.u32 s2, s1;
	s0 =	sshll.u32 s0, $0x11  }
0xc0: {  	s0 =	sor.u32 s0, s1  }
0xc1: {  	s0 =	sadd.s32 $0x8F2B, s0  }
0xc2: {  	[sflag:s0] =	ssyncadd.remote.s32 $0x1  }
0xc3: {  	_ =	sfence.sel $0xFFFF  }
0xc4: {  	[dreg:$0x0] =	wrdreg $0xFFFFFFFF;
	(pc) =	sbr.abs _section_cstart, $3  }
0xc5: {  	[dreg:$0x1] =	wrdreg $0xFFFFFFFF  }
0xc6: {  	_ =	task.clear_ibuf [dreg:s5], $0x2FFFF;
	_ =	strace $0x9FFFFFFF  }
0xc7: {  	(tm) =	ssettm $0x7FFFFFFF  }
tec
execute0_lowered:
.L_overlay_start_1:
0x0: {  	(tag) =	ssettag $0x1  }
0x1: {  	s2 =	rddreg [dreg:$0x0]  }
0x2: {  	s10 =	rddreg [dreg:$0x1];
	s7 =	stileid.u32  }
0x3: {  	s0 =	rddreg [dreg:$0x2];
	s1 =	simm.s32 $0x0;
	s3 =	sshll.u32 s7, $0x5  }
0x4: {  	[smem:$0x7FF] =	sst s1;
	s3 =	sadd.s32 s3, s2  }
0x5: {  	s30 =	simm.s32 $0x5;
	_ =	strace $0x80000047;
	s3 =	sadd.s32 $0x48800, s3  }
0x6: {  	[tilespmem:s1], [sflag:$0x5] =	stream.linear.gather [hbm4b:s3+s1], $0x100, $0x38;
	[tilespmem:$0x14760] =	vst v63  }
0x7: {  	_ =	swait.ge [sflag:s30], $0x100  }
0x8: {  	[sflag:s30] =	ssyncset.done $0x0  }
0x9: {  	v0 =	vimm.s32 $0x800;
	[sflag:s30] =	ssyncadd.s32 $0xFFFFFF00  }
0xa: {  	[tilespmem:$0x300] =	vst v0  }
0xb: {  	[tilespmem:$0x310] =	vst v0  }
0xc: {  	[tilespmem:$0x320] =	vst v0  }
0xd: {  	[tilespmem:$0x330] =	vst v0  }
0xe: {  	[tilespmem:$0x340] =	vst v0  }
0xf: {  	[tilespmem:$0x350] =	vst v0  }
0x10: {  	[tilespmem:$0x360] =	vst v0  }
0x11: {  	[tilespmem:$0x370] =	vst v0  }
0x12: {  	[tilespmem:$0x380] =	vst v0  }
0x13: {  	[tilespmem:$0x390] =	vst v0  }
0x14: {  	[tilespmem:$0x3A0] =	vst v0  }
0x15: {  	[tilespmem:$0x3B0] =	vst v0  }
0x16: {  	[tilespmem:$0x3C0] =	vst v0  }
0x17: {  	[tilespmem:$0x3D0] =	vst v0  }
0x18: {  	[tilespmem:$0x3E0] =	vst v0  }
0x19: {  	[tilespmem:$0x3F0] =	vst v0  }
0x1a: {  	[tilespmem:$0x400] =	vst v0  }
0x1b: {  	[tilespmem:$0x410] =	vst v0  }
0x1c: {  	s31 =	smul.u32 $0x580, s7;
	[tilespmem:$0x420] =	vst v0  }
0x1d: {  	[tilespmem:$0x430] =	vst v0  }
0x1e: {  	s4 =	sshll.u32 s7, $0x8;
	s3 =	sshrl.u32 s31, $0x2;
	[tilespmem:$0x440] =	vst v0  }
0x1f: {  	s5 =	simm.s32 $0x300;
	s4 =	sadd.s32 $0xFFFFF800, s4;
	s3 =	sadd.s32 s3, s0;
	[tilespmem:$0x450] =	vst v0  }
0x20: {  	[spmem:s3] =	stream.linear.scatter [tilespmem:s5], [sflag:$0x5], $0x160, $0x38;
	[tilespmem:$0x14760] =	vst v63  }
0x21: {  	s3 =	sadd.s32 $0x800, s4  }
0x22: {  	_ =	swait.ge [sflag:s30], $0x160;
	p0 =	sgt.u32 s3, $0x7FF  }
0x23: {  	v0 =	vlaneseq.u32;
	[sflag:s30] =	ssyncset.done $0x0;
	s3 =	smov.u32 @p0 s4  }
0x24: {  	s1 =	simm.s32 $0x0;
	[sflag:s30] =	ssyncadd.s32 $0xFFFFFEA0;
	v2 =	vor.u32 s3, v0  }
0x25: {  	s2 =	sadd.s32 $0x800, s2;
	s4 =	sadd.s32 $0x10, s4;
	s3 =	simm.s32 $0x40;
	v1 =	vld [tilespmem:s1+$0x0];
	[tilespmem:s1+$0x200] =	vst v2  }
.LBB2_1:
0x26: {  	s5 =	sadd.s32 $0x800, s4  }
0x27: {  	p0 =	sgt.u32 s5, $0x7FF  }
0x28: {  	s5 =	smov.u32 @p0 s4;
	p0 =	sne.s32 s3, $0x3C0  }
.Ltmp0:
0x29: {  	(pc) =	sbr.rel @p0 .LBB2_1-.Ltmp0, $4  }
0x2a: {  	_ = 	snop  }
0x2b: {  	s6 =	sshra.s32 s3, $0x2;
	s3 =	sadd.s32 $0x40, s3;
	v2 =	vor.u32 s5, v0;
	vm0 =	vgt.s32 v1, $0xFFFFFFFF  }
0x2c: {  	[tilespmem:s6+$0x200] =	vst v2;
	v2 =	vnsel vm0, $0x1400, v1;
	v1 =	vld [tilespmem:s6+$0x0]  }
0x2d: {  	s4 =	sadd.s32 $0x10, s4;
	[tilespmem:s1+$0x100] =	vst v2;
	s1 =	smov.u32 s6  }
0x2e: {  	_ =	sdelay $0x2  }
0x2f: {  	vm0 =	vgt.s32 v1, $0xFFFFFFFF  }
0x30: {  	v0 =	vnsel vm0, $0x1400, v1  }
0x31: {  	s12 =	simm.s32 $0x80;
	s3 =	simm.s32 $0x100;
	[tilespmem:s1+$0x100] =	vst v0  }
0x32: {  	s4 =	simm.s32 $0x200;
	s13 =	simm.s32 $0x5;
	[bflag:$0x0] =	sbarrier.arrive $0xFFFF  }
0x33: {  	[spmem:s0] =	stream.indirect.scatter [tilespmem:s4], [sflag:$0x5], $0x1, s3, s12, $0xb8;
	[tilespmem:$0x14760] =	vst v63  }
0x34: {  	_ =	swait.ge [sflag:s13], $0x80  }
0x35: {  	[sflag:s13] =	ssyncset.done $0x0  }
0x36: {  	s14 =	simm.s32 $0x180;
	s5 =	simm.s32 $0x280;
	[sflag:s13] =	ssyncadd.s32 $0xFFFFFF80  }
0x37: {  	[spmem:s0] =	stream.indirect.scatter [tilespmem:s5], [sflag:$0x5], $0x1, s14, s12, $0xb8;
	[tilespmem:$0x14760] =	vst v63  }
0x38: {  	s15 =	smul.u32 $0x500, s7;
	_ =	swait.ge [sflag:s13], $0x80  }
0x39: {  	[sflag:s13] =	ssyncset.done $0x0  }
0x3a: {  	s1 =	sshrl.u32 s15, $0x2;
	[sflag:s13] =	ssyncadd.s32 $0xFFFFFF80  }
0x3b: {  	s17 =	simm.s32 $0x480;
	s16 =	sadd.s32 s1, s0;
	[bflag:$0x0] =	sbarrier.arrive $0xFFFF  }
0x3c: {  	[tilespmem:s17], [sflag:$0x5] =	stream.linear.gather [spmem:s16], $0x140, $0x38;
	[tilespmem:$0x14760] =	vst v63  }
0x3d: {  	_ =	swait.ge [sflag:s13], $0x140  }
0x3e: {  	[sflag:s13] =	ssyncset.done $0x0  }
0x3f: {  	[sflag:s13] =	ssyncadd.s32 $0xFFFFFEC0  }
0x40: {  	v31 =	vld [tilespmem:$0x480];
	_ =	sdelay $0x4  }
0x41: {  	v32 =	vshll.u32 v31, $0x3  }
0x42: {  	v2 =	vlaneseq.u32;
	v0 =	vand.u32 $0x7, v31;
	v1 =	vand.u32 $0xFFFFFFC0, v32  }
0x43: {  	v33 =	vand.u32 $0x7, v2;
	v34 =	vshrl.u32 v2, $0x3;
	v3 =	vor.u32 v0, v1  }
0x44: {  	v1 =	vmul.u32 $0x8, v34;
	v4 =	vperm.xlane v3, v33;
	_ =	sdelay $0x1  }
0x45: {  	v4 =	vadd.s32 v1, v4;
	_ =	sdelay $0x3  }
0x46: {  	vm15 =	vmmov $0xffff;
	s15 =	simm.s32 $0x600;
	s3 =	simm.s32 $0x0  }
0x47: {  	v2 =	vor.u32 $0x8, v2;
	[tilespmem:s15], [sflag:$0x1] =	stream.indirect_vreg.gather [hbm4b:s2+s3], $0x80, v4, vm15, $0xb8;
	[tilespmem:$0x14760] =	vst v63  }
0x48: {  	s18 =	simm.s32 $0xE00;
	s5 =	sadd.s32 $0x100, s2;
	v3 =	vperm.xlane v3, v2  }
0x49: {  	[tilespmem:s18], [sflag:$0x1] =	stream.indirect_vreg.gather [hbm4b:s5+s3], $0x80, v4, vm15, $0xb8;
	[tilespmem:$0x14760] =	vst v63  }
0x4a: {  	s6 =	sadd.s32 $0x200, s2;
	s19 =	simm.s32 $0x1600;
	v3 =	vadd.s32 v1, v3  }
0x4b: {  	[tilespmem:s19], [sflag:$0x1] =	stream.indirect_vreg.gather [hbm4b:s6+s3], $0x80, v4, vm15, $0xb8;
	[tilespmem:$0x14760] =	vst v63  }
0x4c: {  	s7 =	sadd.s32 $0x300, s2;
	s8 =	simm.s32 $0x1E00  }
0x4d: {  	[tilespmem:s8], [sflag:$0x1] =	stream.indirect_vreg.gather [hbm4b:s7+s3], $0x80, v4, vm15, $0xb8;
	[tilespmem:$0x14760] =	vst v63  }
0x4e: {  	s20 =	simm.s32 $0x2600  }
0x4f: {  	[tilespmem:s20], [sflag:$0x1] =	stream.indirect_vreg.gather [hbm4b:s2+s3], $0x80, v3, vm15, $0xb8;
	[tilespmem:$0x14760] =	vst v63  }
0x50: {  	s21 =	simm.s32 $0x2E00  }
0x51: {  	[tilespmem:s21], [sflag:$0x1] =	stream.indirect_vreg.gather [hbm4b:s5+s3], $0x80, v3, vm15, $0xb8;
	[tilespmem:$0x14760] =	vst v63  }
0x52: {  	s22 =	simm.s32 $0x3600  }
0x53: {  	[tilespmem:s22], [sflag:$0x1] =	stream.indirect_vreg.gather [hbm4b:s6+s3], $0x80, v3, vm15, $0xb8;
	[tilespmem:$0x14760] =	vst v63  }
0x54: {  	s23 =	simm.s32 $0x3E00  }
0x55: {  	[tilespmem:s23], [sflag:$0x1] =	stream.indirect_vreg.gather [hbm4b:s7+s3], $0x80, v3, vm15, $0xb8;
	[tilespmem:$0x14760] =	vst v63  }
0x56: {  	v3 =	vld [tilespmem:$0x490];
	_ =	sdelay $0x4  }
0x57: {  	v35 =	vshll.u32 v3, $0x3  }
0x58: {  	v3 =	vand.u32 $0x7, v3;
	v4 =	vand.u32 $0xFFFFFFC0, v35  }
0x59: {  	v3 =	vor.u32 v3, v4  }
0x5a: {  	v4 =	vperm.xlane v3, v33;
	_ =	sdelay $0x1  }
0x5b: {  	v4 =	vadd.s32 v1, v4;
	_ =	sdelay $0x3  }
0x5c: {  	s24 =	simm.s32 $0x4600  }
0x5d: {  	[tilespmem:s24], [sflag:$0x1] =	stream.indirect_vreg.gather [hbm4b:s2+s3], $0x80, v4, vm15, $0xb8;
	[tilespmem:$0x14760] =	vst v63  }
0x5e: {  	s25 =	simm.s32 $0x4E00;
	v3 =	vperm.xlane v3, v2  }
0x5f: {  	[tilespmem:s25], [sflag:$0x1] =	stream.indirect_vreg.gather [hbm4b:s5+s3], $0x80, v4, vm15, $0xb8;
	[tilespmem:$0x14760] =	vst v63  }
0x60: {  	s26 =	simm.s32 $0x5600;
	v3 =	vadd.s32 v1, v3  }
0x61: {  	[tilespmem:s26], [sflag:$0x1] =	stream.indirect_vreg.gather [hbm4b:s6+s3], $0x80, v4, vm15, $0xb8;
	[tilespmem:$0x14760] =	vst v63  }
0x62: {  	s28 =	simm.s32 $0x5E00  }
0x63: {  	[tilespmem:s28], [sflag:$0x1] =	stream.indirect_vreg.gather [hbm4b:s7+s3], $0x80, v4, vm15, $0xb8;
	[tilespmem:$0x14760] =	vst v63  }
0x64: {  	s29 =	simm.s32 $0x6600  }
0x65: {  	[tilespmem:s29], [sflag:$0x1] =	stream.indirect_vreg.gather [hbm4b:s2+s3], $0x80, v3, vm15, $0xb8;
	[tilespmem:$0x14760] =	vst v63  }
0x66: {  	s30 =	simm.s32 $0x6E00  }
0x67: {  	[tilespmem:s30], [sflag:$0x1] =	stream.indirect_vreg.gather [hbm4b:s5+s3], $0x80, v3, vm15, $0xb8;
	[tilespmem:$0x14760] =	vst v63  }
0x68: {  	s31 =	simm.s32 $0x7600  }
0x69: {  	[tilespmem:s31], [sflag:$0x1] =	stream.indirect_vreg.gather [hbm4b:s6+s3], $0x80, v3, vm15, $0xb8;
	[tilespmem:$0x14760] =	vst v63  }
0x6a: {  	s1 =	simm.s32 $0x7E00  }
0x6b: {  	[tilespmem:s1], [sflag:$0x1] =	stream.indirect_vreg.gather [hbm4b:s7+s3], $0x80, v3, vm15, $0xb8;
	[tilespmem:$0x14760] =	vst v63  }
0x6c: {  	v3 =	vld.msk [tilespmem:$0x4A0], $0xff;
	_ =	sdelay $0x4  }
0x6d: {  	v36 =	vshll.u32 v3, $0x3  }
0x6e: {  	v3 =	vand.u32 $0x7, v3;
	v4 =	vand.u32 $0xFFFFFFC0, v36  }
0x6f: {  	v3 =	vor.u32 v3, v4  }
0x70: {  	v3 =	vperm.xlane v3, v33;
	_ =	sdelay $0x1  }
0x71: {  	v3 =	vadd.s32 v1, v3;
	_ =	sdelay $0x3  }
0x72: {  	s4 =	simm.s32 $0x8600  }
0x73: {  	[tilespmem:s4], [sflag:$0x1] =	stream.indirect_vreg.gather [hbm4b:s2+s3], $0x80, v3, vm15, $0xb8;
	[tilespmem:$0x14760] =	vst v63  }
0x74: {  	s9 =	simm.s32 $0x8E00  }
0x75: {  	[tilespmem:s9], [sflag:$0x1] =	stream.indirect_vreg.gather [hbm4b:s5+s3], $0x80, v3, vm15, $0xb8;
	[tilespmem:$0x14760] =	vst v63  }
0x76: {  	s13 =	simm.s32 $0x9600  }
0x77: {  	[tilespmem:s13], [sflag:$0x1] =	stream.indirect_vreg.gather [hbm4b:s6+s3], $0x80, v3, vm15, $0xb8;
	[tilespmem:$0x14760] =	vst v63  }
0x78: {  	s14 =	simm.s32 $0x9E00  }
0x79: {  	[tilespmem:s14], [sflag:$0x1] =	stream.indirect_vreg.gather [hbm4b:s7+s3], $0x80, v3, vm15, $0xb8;
	[tilespmem:$0x14760] =	vst v63  }
0x7a: {  	v3 =	vld [tilespmem:$0x4A8];
	_ =	sdelay $0x4  }
0x7b: {  	v37 =	vshll.u32 v3, $0x3  }
0x7c: {  	v3 =	vand.u32 $0x7, v3;
	v4 =	vand.u32 $0xFFFFFFC0, v37  }
0x7d: {  	v3 =	vor.u32 v3, v4  }
0x7e: {  	v4 =	vperm.xlane v3, v33;
	_ =	sdelay $0x1  }
0x7f: {  	v4 =	vadd.s32 v1, v4;
	_ =	sdelay $0x3  }
0x80: {  	s14 =	simm.s32 $0xA600  }
0x81: {  	[tilespmem:s14], [sflag:$0x2] =	stream.indirect_vreg.gather [hbm4b:s2+s3], $0x80, v4, vm15, $0xb8;
	[tilespmem:$0x14760] =	vst v63  }
0x82: {  	s30 =	simm.s32 $0xAE00;
	v3 =	vperm.xlane v3, v2  }
0x83: {  	[tilespmem:s30], [sflag:$0x2] =	stream.indirect_vreg.gather [hbm4b:s5+s3], $0x80, v4, vm15, $0xb8;
	[tilespmem:$0x14760] =	vst v63  }
0x84: {  	s4 =	simm.s32 $0xB600;
	v3 =	vadd.s32 v1, v3  }
0x85: {  	[tilespmem:s4], [sflag:$0x2] =	stream.indirect_vreg.gather [hbm4b:s6+s3], $0x80, v4, vm15, $0xb8;
	[tilespmem:$0x14760] =	vst v63  }
0x86: {  	s9 =	simm.s32 $0xBE00  }
0x87: {  	[tilespmem:s9], [sflag:$0x2] =	stream.indirect_vreg.gather [hbm4b:s7+s3], $0x80, v4, vm15, $0xb8;
	[tilespmem:$0x14760] =	vst v63  }
0x88: {  	s13 =	simm.s32 $0xC600  }
0x89: {  	[tilespmem:s13], [sflag:$0x2] =	stream.indirect_vreg.gather [hbm4b:s2+s3], $0x80, v3, vm15, $0xb8;
	[tilespmem:$0x14760] =	vst v63  }
0x8a: {  	s30 =	simm.s32 $0xCE00  }
0x8b: {  	[tilespmem:s30], [sflag:$0x2] =	stream.indirect_vreg.gather [hbm4b:s5+s3], $0x80, v3, vm15, $0xb8;
	[tilespmem:$0x14760] =	vst v63  }
0x8c: {  	s4 =	simm.s32 $0xD600  }
0x8d: {  	[tilespmem:s4], [sflag:$0x2] =	stream.indirect_vreg.gather [hbm4b:s6+s3], $0x80, v3, vm15, $0xb8;
	[tilespmem:$0x14760] =	vst v63  }
0x8e: {  	s9 =	simm.s32 $0xDE00  }
0x8f: {  	[tilespmem:s9], [sflag:$0x2] =	stream.indirect_vreg.gather [hbm4b:s7+s3], $0x80, v3, vm15, $0xb8;
	[tilespmem:$0x14760] =	vst v63  }
0x90: {  	v3 =	vld [tilespmem:$0x4B8];
	_ =	sdelay $0x4  }
0x91: {  	v38 =	vshll.u32 v3, $0x3  }
0x92: {  	v3 =	vand.u32 $0x7, v3;
	v4 =	vand.u32 $0xFFFFFFC0, v38  }
0x93: {  	v3 =	vor.u32 v3, v4  }
0x94: {  	v4 =	vperm.xlane v3, v33;
	_ =	sdelay $0x1  }
0x95: {  	v4 =	vadd.s32 v1, v4;
	_ =	sdelay $0x3  }
0x96: {  	s13 =	simm.s32 $0xE600  }
0x97: {  	[tilespmem:s13], [sflag:$0x2] =	stream.indirect_vreg.gather [hbm4b:s2+s3], $0x80, v4, vm15, $0xb8;
	[tilespmem:$0x14760] =	vst v63  }
0x98: {  	s30 =	simm.s32 $0xEE00;
	v3 =	vperm.xlane v3, v2  }
0x99: {  	[tilespmem:s30], [sflag:$0x2] =	stream.indirect_vreg.gather [hbm4b:s5+s3], $0x80, v4, vm15, $0xb8;
	[tilespmem:$0x14760] =	vst v63  }
0x9a: {  	s4 =	simm.s32 $0xF600;
	v3 =	vadd.s32 v1, v3  }
0x9b: {  	[tilespmem:s4], [sflag:$0x2] =	stream.indirect_vreg.gather [hbm4b:s6+s3], $0x80, v4, vm15, $0xb8;
	[tilespmem:$0x14760] =	vst v63  }
0x9c: {  	s9 =	simm.s32 $0xFE00  }
0x9d: {  	[tilespmem:s9], [sflag:$0x2] =	stream.indirect_vreg.gather [hbm4b:s7+s3], $0x80, v4, vm15, $0xb8;
	[tilespmem:$0x14760] =	vst v63  }
0x9e: {  	s13 =	simm.s32 $0x10600  }
0x9f: {  	[tilespmem:s13], [sflag:$0x2] =	stream.indirect_vreg.gather [hbm4b:s2+s3], $0x80, v3, vm15, $0xb8;
	[tilespmem:$0x14760] =	vst v63  }
0xa0: {  	s30 =	simm.s32 $0x10E00  }
0xa1: {  	[tilespmem:s30], [sflag:$0x2] =	stream.indirect_vreg.gather [hbm4b:s5+s3], $0x80, v3, vm15, $0xb8;
	[tilespmem:$0x14760] =	vst v63  }
0xa2: {  	s4 =	simm.s32 $0x11600  }
0xa3: {  	[tilespmem:s4], [sflag:$0x2] =	stream.indirect_vreg.gather [hbm4b:s6+s3], $0x80, v3, vm15, $0xb8;
	[tilespmem:$0x14760] =	vst v63  }
0xa4: {  	s9 =	simm.s32 $0x11E00  }
0xa5: {  	[tilespmem:s9], [sflag:$0x2] =	stream.indirect_vreg.gather [hbm4b:s7+s3], $0x80, v3, vm15, $0xb8;
	[tilespmem:$0x14760] =	vst v63  }
0xa6: {  	v3 =	vld.msk [tilespmem:$0x4C8], $0xff;
	_ =	sdelay $0x4  }
0xa7: {  	v39 =	vshll.u32 v3, $0x3  }
0xa8: {  	v3 =	vand.u32 $0x7, v3;
	v4 =	vand.u32 $0xFFFFFFC0, v39  }
0xa9: {  	v3 =	vor.u32 v3, v4  }
0xaa: {  	v3 =	vperm.xlane v3, v33;
	_ =	sdelay $0x1  }
0xab: {  	v3 =	vadd.s32 v1, v3;
	_ =	sdelay $0x3  }
0xac: {  	s13 =	simm.s32 $0x12600  }
0xad: {  	[tilespmem:s13], [sflag:$0x2] =	stream.indirect_vreg.gather [hbm4b:s2+s3], $0x80, v3, vm15, $0xb8;
	[tilespmem:$0x14760] =	vst v63  }
0xae: {  	s30 =	simm.s32 $0x12E00  }
0xaf: {  	[tilespmem:s30], [sflag:$0x2] =	stream.indirect_vreg.gather [hbm4b:s5+s3], $0x80, v3, vm15, $0xb8;
	[tilespmem:$0x14760] =	vst v63  }
0xb0: {  	s4 =	simm.s32 $0x13600  }
0xb1: {  	[tilespmem:s4], [sflag:$0x2] =	stream.indirect_vreg.gather [hbm4b:s6+s3], $0x80, v3, vm15, $0xb8;
	[tilespmem:$0x14760] =	vst v63  }
0xb2: {  	s0 =	stileid.u32;
	s8 =	simm.s32 $0x1;
	s9 =	simm.s32 $0x13E00  }
0xb3: {  	[tilespmem:s9], [sflag:$0x2] =	stream.indirect_vreg.gather [hbm4b:s7+s3], $0x80, v3, vm15, $0xb8;
	[tilespmem:$0x14760] =	vst v63  }
0xb4: {  	s0 =	smul.u32 $0xA000, s0;
	_ =	swait.ge [sflag:s8], $0xA000  }
0xb5: {  	[sflag:s8] =	ssyncset.done $0x0  }
0xb6: {  	s0 =	sadd.s32 s10, s0;
	s9 =	simm.s32 $0x3;
	[sflag:s8] =	ssyncadd.s32 $0xFFFF6000  }
0xb7: {  	[hbm4b:s0+s3] =	stream.linear.scatter [tilespmem:s15], [sflag:$0x3], $0xA000, $0x38;
	[tilespmem:$0x14760] =	vst v63  }
0xb8: {  	_ =	swait.ge [sflag:s9], $0xA000  }
0xb9: {  	[sflag:s9] =	ssyncset.done $0x0  }
0xba: {  	[sflag:s9] =	ssyncadd.s32 $0xFFFF6000  }
0xbb: {  	v40 =	vld [tilespmem:$0x4D0];
	_ =	sdelay $0x4  }
0xbc: {  	v41 =	vshll.u32 v40, $0x3  }
0xbd: {  	v3 =	vand.u32 $0x7, v40;
	v4 =	vand.u32 $0xFFFFFFC0, v41  }
0xbe: {  	v3 =	vor.u32 v3, v4  }
0xbf: {  	v4 =	vperm.xlane v3, v33;
	_ =	sdelay $0x1  }
0xc0: {  	v4 =	vadd.s32 v1, v4;
	_ =	sdelay $0x4  }
0xc1: {  	[tilespmem:s15], [sflag:$0x1] =	stream.indirect_vreg.gather [hbm4b:s2+s3], $0x80, v4, vm15, $0xb8;
	[tilespmem:$0x14760] =	vst v63  }
0xc2: {  	s11 =	simm.s32 $0xE00;
	v3 =	vperm.xlane v3, v2  }
0xc3: {  	[tilespmem:s11], [sflag:$0x1] =	stream.indirect_vreg.gather [hbm4b:s5+s3], $0x80, v4, vm15, $0xb8;
	[tilespmem:$0x14760] =	vst v63  }
0xc4: {  	s12 =	simm.s32 $0x1600;
	v3 =	vadd.s32 v1, v3  }
0xc5: {  	[tilespmem:s12], [sflag:$0x1] =	stream.indirect_vreg.gather [hbm4b:s6+s3], $0x80, v4, vm15, $0xb8;
	[tilespmem:$0x14760] =	vst v63  }
0xc6: {  	s16 =	simm.s32 $0x1E00  }
0xc7: {  	[tilespmem:s16], [sflag:$0x1] =	stream.indirect_vreg.gather [hbm4b:s7+s3], $0x80, v4, vm15, $0xb8;
	[tilespmem:$0x14760] =	vst v63  }
0xc8: {  	s17 =	simm.s32 $0x2600  }
0xc9: {  	[tilespmem:s17], [sflag:$0x1] =	stream.indirect_vreg.gather [hbm4b:s2+s3], $0x80, v3, vm15, $0xb8;
	[tilespmem:$0x14760] =	vst v63  }
0xca: {  	s18 =	simm.s32 $0x2E00  }
0xcb: {  	[tilespmem:s18], [sflag:$0x1] =	stream.indirect_vreg.gather [hbm4b:s5+s3], $0x80, v3, vm15, $0xb8;
	[tilespmem:$0x14760] =	vst v63  }
0xcc: {  	s19 =	simm.s32 $0x3600  }
0xcd: {  	[tilespmem:s19], [sflag:$0x1] =	stream.indirect_vreg.gather [hbm4b:s6+s3], $0x80, v3, vm15, $0xb8;
	[tilespmem:$0x14760] =	vst v63  }
0xce: {  	s20 =	simm.s32 $0x3E00  }
0xcf: {  	[tilespmem:s20], [sflag:$0x1] =	stream.indirect_vreg.gather [hbm4b:s7+s3], $0x80, v3, vm15, $0xb8;
	[tilespmem:$0x14760] =	vst v63  }
0xd0: {  	v3 =	vld [tilespmem:$0x4E0];
	_ =	sdelay $0x4  }
0xd1: {  	v42 =	vshll.u32 v3, $0x3  }
0xd2: {  	v3 =	vand.u32 $0x7, v3;
	v4 =	vand.u32 $0xFFFFFFC0, v42  }
0xd3: {  	v3 =	vor.u32 v3, v4  }
0xd4: {  	v4 =	vperm.xlane v3, v33;
	_ =	sdelay $0x1  }
0xd5: {  	v4 =	vadd.s32 v1, v4;
	_ =	sdelay $0x3  }
0xd6: {  	s21 =	simm.s32 $0x4600  }
0xd7: {  	[tilespmem:s21], [sflag:$0x1] =	stream.indirect_vreg.gather [hbm4b:s2+s3], $0x80, v4, vm15, $0xb8;
	[tilespmem:$0x14760] =	vst v63  }
0xd8: {  	s22 =	simm.s32 $0x4E00;
	v3 =	vperm.xlane v3, v2  }
0xd9: {  	[tilespmem:s22], [sflag:$0x1] =	stream.indirect_vreg.gather [hbm4b:s5+s3], $0x80, v4, vm15, $0xb8;
	[tilespmem:$0x14760] =	vst v63  }
0xda: {  	s23 =	simm.s32 $0x5600;
	v3 =	vadd.s32 v1, v3  }
0xdb: {  	[tilespmem:s23], [sflag:$0x1] =	stream.indirect_vreg.gather [hbm4b:s6+s3], $0x80, v4, vm15, $0xb8;
	[tilespmem:$0x14760] =	vst v63  }
0xdc: {  	s24 =	simm.s32 $0x5E00  }
0xdd: {  	[tilespmem:s24], [sflag:$0x1] =	stream.indirect_vreg.gather [hbm4b:s7+s3], $0x80, v4, vm15, $0xb8;
	[tilespmem:$0x14760] =	vst v63  }
0xde: {  	s25 =	simm.s32 $0x6600  }
0xdf: {  	[tilespmem:s25], [sflag:$0x1] =	stream.indirect_vreg.gather [hbm4b:s2+s3], $0x80, v3, vm15, $0xb8;
	[tilespmem:$0x14760] =	vst v63  }
0xe0: {  	s26 =	simm.s32 $0x6E00  }
0xe1: {  	[tilespmem:s26], [sflag:$0x1] =	stream.indirect_vreg.gather [hbm4b:s5+s3], $0x80, v3, vm15, $0xb8;
	[tilespmem:$0x14760] =	vst v63  }
0xe2: {  	s28 =	simm.s32 $0x7600  }
0xe3: {  	[tilespmem:s28], [sflag:$0x1] =	stream.indirect_vreg.gather [hbm4b:s6+s3], $0x80, v3, vm15, $0xb8;
	[tilespmem:$0x14760] =	vst v63  }
0xe4: {  	s29 =	simm.s32 $0x7E00  }
0xe5: {  	[tilespmem:s29], [sflag:$0x1] =	stream.indirect_vreg.gather [hbm4b:s7+s3], $0x80, v3, vm15, $0xb8;
	[tilespmem:$0x14760] =	vst v63  }
0xe6: {  	v3 =	vld.msk [tilespmem:$0x4F0], $0xff;
	_ =	sdelay $0x4  }
0xe7: {  	v43 =	vshll.u32 v3, $0x3  }
0xe8: {  	v3 =	vand.u32 $0x7, v3;
	v4 =	vand.u32 $0xFFFFFFC0, v43  }
0xe9: {  	v3 =	vor.u32 v3, v4  }
0xea: {  	v3 =	vperm.xlane v3, v33;
	_ =	sdelay $0x1  }
0xeb: {  	v3 =	vadd.s32 v1, v3;
	_ =	sdelay $0x3  }
0xec: {  	s31 =	simm.s32 $0x8600  }
0xed: {  	[tilespmem:s31], [sflag:$0x1] =	stream.indirect_vreg.gather [hbm4b:s2+s3], $0x80, v3, vm15, $0xb8;
	[tilespmem:$0x14760] =	vst v63  }
0xee: {  	s4 =	simm.s32 $0x8E00  }
0xef: {  	[tilespmem:s4], [sflag:$0x1] =	stream.indirect_vreg.gather [hbm4b:s5+s3], $0x80, v3, vm15, $0xb8;
	[tilespmem:$0x14760] =	vst v63  }
0xf0: {  	s4 =	simm.s32 $0x9600  }
0xf1: {  	[tilespmem:s4], [sflag:$0x1] =	stream.indirect_vreg.gather [hbm4b:s6+s3], $0x80, v3, vm15, $0xb8;
	[tilespmem:$0x14760] =	vst v63  }
0xf2: {  	s1 =	simm.s32 $0x9E00  }
0xf3: {  	[tilespmem:s1], [sflag:$0x1] =	stream.indirect_vreg.gather [hbm4b:s7+s3], $0x80, v3, vm15, $0xb8;
	[tilespmem:$0x14760] =	vst v63  }
0xf4: {  	s1 =	simm.s32 $0x2  }
0xf5: {  	_ =	swait.ge [sflag:s1], $0xA000  }
0xf6: {  	[sflag:s1] =	ssyncset.done $0x0  }
0xf7: {  	s0 =	sadd.s32 $0x1400, s0;
	s4 =	simm.s32 $0x4;
	[sflag:s1] =	ssyncadd.s32 $0xFFFF6000  }
0xf8: {  	[hbm4b:s0+s3] =	stream.linear.scatter [tilespmem:s14], [sflag:$0x4], $0xA000, $0x38;
	[tilespmem:$0x14760] =	vst v63  }
0xf9: {  	_ =	swait.ge [sflag:s4], $0xA000  }
0xfa: {  	[sflag:s4] =	ssyncset.done $0x0  }
0xfb: {  	[sflag:s4] =	ssyncadd.s32 $0xFFFF6000  }
0xfc: {  	v44 =	vld [tilespmem:$0x4F8];
	_ =	sdelay $0x4  }
0xfd: {  	v45 =	vshll.u32 v44, $0x3  }
0xfe: {  	v3 =	vand.u32 $0x7, v44;
	v4 =	vand.u32 $0xFFFFFFC0, v45  }
0xff: {  	v3 =	vor.u32 v3, v4  }
0x100: {  	v4 =	vperm.xlane v3, v33;
	_ =	sdelay $0x1  }
0x101: {  	v4 =	vadd.s32 v1, v4;
	_ =	sdelay $0x4  }
0x102: {  	[tilespmem:s14], [sflag:$0x2] =	stream.indirect_vreg.gather [hbm4b:s2+s3], $0x80, v4, vm15, $0xb8;
	[tilespmem:$0x14760] =	vst v63  }
0x103: {  	s0 =	simm.s32 $0xAE00;
	v3 =	vperm.xlane v3, v2  }
0x104: {  	[tilespmem:s0], [sflag:$0x2] =	stream.indirect_vreg.gather [hbm4b:s5+s3], $0x80, v4, vm15, $0xb8;
	[tilespmem:$0x14760] =	vst v63  }
0x105: {  	v3 =	vadd.s32 v1, v3;
	s0 =	simm.s32 $0xB600  }
0x106: {  	[tilespmem:s0], [sflag:$0x2] =	stream.indirect_vreg.gather [hbm4b:s6+s3], $0x80, v4, vm15, $0xb8;
	[tilespmem:$0x14760] =	vst v63  }
0x107: {  	s0 =	simm.s32 $0xBE00  }
0x108: {  	[tilespmem:s0], [sflag:$0x2] =	stream.indirect_vreg.gather [hbm4b:s7+s3], $0x80, v4, vm15, $0xb8;
	[tilespmem:$0x14760] =	vst v63  }
0x109: {  	s0 =	simm.s32 $0xC600  }
0x10a: {  	[tilespmem:s0], [sflag:$0x2] =	stream.indirect_vreg.gather [hbm4b:s2+s3], $0x80, v3, vm15, $0xb8;
	[tilespmem:$0x14760] =	vst v63  }
0x10b: {  	s0 =	simm.s32 $0xCE00  }
0x10c: {  	[tilespmem:s0], [sflag:$0x2] =	stream.indirect_vreg.gather [hbm4b:s5+s3], $0x80, v3, vm15, $0xb8;
	[tilespmem:$0x14760] =	vst v63  }
0x10d: {  	s0 =	simm.s32 $0xD600  }
0x10e: {  	[tilespmem:s0], [sflag:$0x2] =	stream.indirect_vreg.gather [hbm4b:s6+s3], $0x80, v3, vm15, $0xb8;
	[tilespmem:$0x14760] =	vst v63  }
0x10f: {  	s0 =	simm.s32 $0xDE00  }
0x110: {  	[tilespmem:s0], [sflag:$0x2] =	stream.indirect_vreg.gather [hbm4b:s7+s3], $0x80, v3, vm15, $0xb8;
	[tilespmem:$0x14760] =	vst v63  }
0x111: {  	v3 =	vld [tilespmem:$0x508];
	_ =	sdelay $0x4  }
0x112: {  	v46 =	vshll.u32 v3, $0x3  }
0x113: {  	v3 =	vand.u32 $0x7, v3;
	v4 =	vand.u32 $0xFFFFFFC0, v46  }
0x114: {  	v3 =	vor.u32 v3, v4  }
0x115: {  	v4 =	vperm.xlane v3, v33;
	_ =	sdelay $0x1  }
0x116: {  	v4 =	vadd.s32 v1, v4;
	_ =	sdelay $0x3  }
0x117: {  	s0 =	simm.s32 $0xE600  }
0x118: {  	[tilespmem:s0], [sflag:$0x2] =	stream.indirect_vreg.gather [hbm4b:s2+s3], $0x80, v4, vm15, $0xb8;
	[tilespmem:$0x14760] =	vst v63  }
0x119: {  	v3 =	vperm.xlane v3, v2;
	s0 =	simm.s32 $0xEE00  }
0x11a: {  	[tilespmem:s0], [sflag:$0x2] =	stream.indirect_vreg.gather [hbm4b:s5+s3], $0x80, v4, vm15, $0xb8;
	[tilespmem:$0x14760] =	vst v63  }
0x11b: {  	v3 =	vadd.s32 v1, v3;
	s0 =	simm.s32 $0xF600  }
0x11c: {  	[tilespmem:s0], [sflag:$0x2] =	stream.indirect_vreg.gather [hbm4b:s6+s3], $0x80, v4, vm15, $0xb8;
	[tilespmem:$0x14760] =	vst v63  }
0x11d: {  	s0 =	simm.s32 $0xFE00  }
0x11e: {  	[tilespmem:s0], [sflag:$0x2] =	stream.indirect_vreg.gather [hbm4b:s7+s3], $0x80, v4, vm15, $0xb8;
	[tilespmem:$0x14760] =	vst v63  }
0x11f: {  	s0 =	simm.s32 $0x10600  }
0x120: {  	[tilespmem:s0], [sflag:$0x2] =	stream.indirect_vreg.gather [hbm4b:s2+s3], $0x80, v3, vm15, $0xb8;
	[tilespmem:$0x14760] =	vst v63  }
0x121: {  	s0 =	simm.s32 $0x10E00  }
0x122: {  	[tilespmem:s0], [sflag:$0x2] =	stream.indirect_vreg.gather [hbm4b:s5+s3], $0x80, v3, vm15, $0xb8;
	[tilespmem:$0x14760] =	vst v63  }
0x123: {  	s0 =	simm.s32 $0x11600  }
0x124: {  	[tilespmem:s0], [sflag:$0x2] =	stream.indirect_vreg.gather [hbm4b:s6+s3], $0x80, v3, vm15, $0xb8;
	[tilespmem:$0x14760] =	vst v63  }
0x125: {  	s0 =	simm.s32 $0x11E00  }
0x126: {  	[tilespmem:s0], [sflag:$0x2] =	stream.indirect_vreg.gather [hbm4b:s7+s3], $0x80, v3, vm15, $0xb8;
	[tilespmem:$0x14760] =	vst v63  }
0x127: {  	v3 =	vld.msk [tilespmem:$0x518], $0xff;
	_ =	sdelay $0x4  }
0x128: {  	v47 =	vshll.u32 v3, $0x3  }
0x129: {  	v3 =	vand.u32 $0x7, v3;
	v4 =	vand.u32 $0xFFFFFFC0, v47  }
0x12a: {  	v3 =	vor.u32 v3, v4  }
0x12b: {  	v3 =	vperm.xlane v3, v33;
	_ =	sdelay $0x1  }
0x12c: {  	v3 =	vadd.s32 v1, v3;
	_ =	sdelay $0x3  }
0x12d: {  	s0 =	simm.s32 $0x12600  }
0x12e: {  	[tilespmem:s0], [sflag:$0x2] =	stream.indirect_vreg.gather [hbm4b:s2+s3], $0x80, v3, vm15, $0xb8;
	[tilespmem:$0x14760] =	vst v63  }
0x12f: {  	s0 =	simm.s32 $0x12E00  }
0x130: {  	[tilespmem:s0], [sflag:$0x2] =	stream.indirect_vreg.gather [hbm4b:s5+s3], $0x80, v3, vm15, $0xb8;
	[tilespmem:$0x14760] =	vst v63  }
0x131: {  	s13 =	stileid.u32;
	s0 =	simm.s32 $0x13600  }
0x132: {  	[tilespmem:s0], [sflag:$0x2] =	stream.indirect_vreg.gather [hbm4b:s6+s3], $0x80, v3, vm15, $0xb8;
	[tilespmem:$0x14760] =	vst v63  }
0x133: {  	s13 =	smul.u32 $0x50000, s13;
	s30 =	simm.s32 $0x13E00  }
0x134: {  	[tilespmem:s30], [sflag:$0x2] =	stream.indirect_vreg.gather [hbm4b:s7+s3], $0x80, v3, vm15, $0xb8;
	[tilespmem:$0x14760] =	vst v63  }
0x135: {  	s0 =	sshrl.u32 s13, $0x3;
	_ =	swait.ge [sflag:s8], $0xA000  }
0x136: {  	s0 =	sadd.s32 s10, s0;
	[sflag:s8] =	ssyncset.done $0x0  }
0x137: {  	s10 =	sadd.s32 $0x2800, s0;
	[sflag:s8] =	ssyncadd.s32 $0xFFFF6000  }
0x138: {  	[hbm4b:s10+s3] =	stream.linear.scatter [tilespmem:s15], [sflag:$0x3], $0xA000, $0x38;
	[tilespmem:$0x14760] =	vst v63  }
0x139: {  	_ =	swait.ge [sflag:s9], $0xA000  }
0x13a: {  	[sflag:s9] =	ssyncset.done $0x0  }
0x13b: {  	[sflag:s9] =	ssyncadd.s32 $0xFFFF6000  }
0x13c: {  	v48 =	vld [tilespmem:$0x520];
	_ =	sdelay $0x4  }
0x13d: {  	v49 =	vshll.u32 v48, $0x3  }
0x13e: {  	v3 =	vand.u32 $0x7, v48;
	v4 =	vand.u32 $0xFFFFFFC0, v49  }
0x13f: {  	v3 =	vor.u32 v3, v4  }
0x140: {  	v4 =	vperm.xlane v3, v33;
	_ =	sdelay $0x1  }
0x141: {  	v4 =	vadd.s32 v1, v4;
	_ =	sdelay $0x4  }
0x142: {  	[tilespmem:s15], [sflag:$0x1] =	stream.indirect_vreg.gather [hbm4b:s2+s3], $0x80, v4, vm15, $0xb8;
	[tilespmem:$0x14760] =	vst v63  }
0x143: {  	s11 =	simm.s32 $0xE00;
	v3 =	vperm.xlane v3, v2  }
0x144: {  	[tilespmem:s11], [sflag:$0x1] =	stream.indirect_vreg.gather [hbm4b:s5+s3], $0x80, v4, vm15, $0xb8;
	[tilespmem:$0x14760] =	vst v63  }
0x145: {  	s12 =	simm.s32 $0x1600;
	v3 =	vadd.s32 v1, v3  }
0x146: {  	[tilespmem:s12], [sflag:$0x1] =	stream.indirect_vreg.gather [hbm4b:s6+s3], $0x80, v4, vm15, $0xb8;
	[tilespmem:$0x14760] =	vst v63  }
0x147: {  	s16 =	simm.s32 $0x1E00  }
0x148: {  	[tilespmem:s16], [sflag:$0x1] =	stream.indirect_vreg.gather [hbm4b:s7+s3], $0x80, v4, vm15, $0xb8;
	[tilespmem:$0x14760] =	vst v63  }
0x149: {  	s17 =	simm.s32 $0x2600  }
0x14a: {  	[tilespmem:s17], [sflag:$0x1] =	stream.indirect_vreg.gather [hbm4b:s2+s3], $0x80, v3, vm15, $0xb8;
	[tilespmem:$0x14760] =	vst v63  }
0x14b: {  	s18 =	simm.s32 $0x2E00  }
0x14c: {  	[tilespmem:s18], [sflag:$0x1] =	stream.indirect_vreg.gather [hbm4b:s5+s3], $0x80, v3, vm15, $0xb8;
	[tilespmem:$0x14760] =	vst v63  }
0x14d: {  	s19 =	simm.s32 $0x3600  }
0x14e: {  	[tilespmem:s19], [sflag:$0x1] =	stream.indirect_vreg.gather [hbm4b:s6+s3], $0x80, v3, vm15, $0xb8;
	[tilespmem:$0x14760] =	vst v63  }
0x14f: {  	s20 =	simm.s32 $0x3E00  }
0x150: {  	[tilespmem:s20], [sflag:$0x1] =	stream.indirect_vreg.gather [hbm4b:s7+s3], $0x80, v3, vm15, $0xb8;
	[tilespmem:$0x14760] =	vst v63  }
0x151: {  	v3 =	vld [tilespmem:$0x530];
	_ =	sdelay $0x4  }
0x152: {  	v50 =	vshll.u32 v3, $0x3  }
0x153: {  	v3 =	vand.u32 $0x7, v3;
	v4 =	vand.u32 $0xFFFFFFC0, v50  }
0x154: {  	v3 =	vor.u32 v3, v4  }
0x155: {  	v4 =	vperm.xlane v3, v33;
	_ =	sdelay $0x1  }
0x156: {  	v4 =	vadd.s32 v1, v4;
	_ =	sdelay $0x3  }
0x157: {  	s21 =	simm.s32 $0x4600  }
0x158: {  	[tilespmem:s21], [sflag:$0x1] =	stream.indirect_vreg.gather [hbm4b:s2+s3], $0x80, v4, vm15, $0xb8;
	[tilespmem:$0x14760] =	vst v63  }
0x159: {  	s22 =	simm.s32 $0x4E00;
	v3 =	vperm.xlane v3, v2  }
0x15a: {  	[tilespmem:s22], [sflag:$0x1] =	stream.indirect_vreg.gather [hbm4b:s5+s3], $0x80, v4, vm15, $0xb8;
	[tilespmem:$0x14760] =	vst v63  }
0x15b: {  	s23 =	simm.s32 $0x5600;
	v3 =	vadd.s32 v1, v3  }
0x15c: {  	[tilespmem:s23], [sflag:$0x1] =	stream.indirect_vreg.gather [hbm4b:s6+s3], $0x80, v4, vm15, $0xb8;
	[tilespmem:$0x14760] =	vst v63  }
0x15d: {  	s24 =	simm.s32 $0x5E00  }
0x15e: {  	[tilespmem:s24], [sflag:$0x1] =	stream.indirect_vreg.gather [hbm4b:s7+s3], $0x80, v4, vm15, $0xb8;
	[tilespmem:$0x14760] =	vst v63  }
0x15f: {  	s25 =	simm.s32 $0x6600  }
0x160: {  	[tilespmem:s25], [sflag:$0x1] =	stream.indirect_vreg.gather [hbm4b:s2+s3], $0x80, v3, vm15, $0xb8;
	[tilespmem:$0x14760] =	vst v63  }
0x161: {  	s26 =	simm.s32 $0x6E00  }
0x162: {  	[tilespmem:s26], [sflag:$0x1] =	stream.indirect_vreg.gather [hbm4b:s5+s3], $0x80, v3, vm15, $0xb8;
	[tilespmem:$0x14760] =	vst v63  }
0x163: {  	s28 =	simm.s32 $0x7600  }
0x164: {  	[tilespmem:s28], [sflag:$0x1] =	stream.indirect_vreg.gather [hbm4b:s6+s3], $0x80, v3, vm15, $0xb8;
	[tilespmem:$0x14760] =	vst v63  }
0x165: {  	s29 =	simm.s32 $0x7E00  }
0x166: {  	[tilespmem:s29], [sflag:$0x1] =	stream.indirect_vreg.gather [hbm4b:s7+s3], $0x80, v3, vm15, $0xb8;
	[tilespmem:$0x14760] =	vst v63  }
0x167: {  	v3 =	vld.msk [tilespmem:$0x540], $0xff;
	_ =	sdelay $0x4  }
0x168: {  	v51 =	vshll.u32 v3, $0x3  }
0x169: {  	v3 =	vand.u32 $0x7, v3;
	v4 =	vand.u32 $0xFFFFFFC0, v51  }
0x16a: {  	v3 =	vor.u32 v3, v4  }
0x16b: {  	v3 =	vperm.xlane v3, v33;
	_ =	sdelay $0x1  }
0x16c: {  	v3 =	vadd.s32 v1, v3;
	_ =	sdelay $0x3  }
0x16d: {  	s31 =	simm.s32 $0x8600  }
0x16e: {  	[tilespmem:s31], [sflag:$0x1] =	stream.indirect_vreg.gather [hbm4b:s2+s3], $0x80, v3, vm15, $0xb8;
	[tilespmem:$0x14760] =	vst v63  }
0x16f: {  	s11 =	simm.s32 $0x8E00  }
0x170: {  	[tilespmem:s11], [sflag:$0x1] =	stream.indirect_vreg.gather [hbm4b:s5+s3], $0x80, v3, vm15, $0xb8;
	[tilespmem:$0x14760] =	vst v63  }
0x171: {  	s12 =	simm.s32 $0x9600  }
0x172: {  	[tilespmem:s12], [sflag:$0x1] =	stream.indirect_vreg.gather [hbm4b:s6+s3], $0x80, v3, vm15, $0xb8;
	[tilespmem:$0x14760] =	vst v63  }
0x173: {  	s10 =	simm.s32 $0x9E00  }
0x174: {  	[tilespmem:s10], [sflag:$0x1] =	stream.indirect_vreg.gather [hbm4b:s7+s3], $0x80, v3, vm15, $0xb8;
	[tilespmem:$0x14760] =	vst v63  }
0x175: {  	_ =	swait.ge [sflag:s1], $0xA000  }
0x176: {  	[sflag:s1] =	ssyncset.done $0x0  }
0x177: {  	s13 =	sadd.s32 $0x3C00, s0;
	[sflag:s1] =	ssyncadd.s32 $0xFFFF6000  }
0x178: {  	[hbm4b:s13+s3] =	stream.linear.scatter [tilespmem:s14], [sflag:$0x4], $0xA000, $0x38;
	[tilespmem:$0x14760] =	vst v63  }
0x179: {  	_ =	swait.ge [sflag:s4], $0xA000  }
0x17a: {  	[sflag:s4] =	ssyncset.done $0x0  }
0x17b: {  	[sflag:s4] =	ssyncadd.s32 $0xFFFF6000  }
0x17c: {  	v52 =	vld [tilespmem:$0x548];
	_ =	sdelay $0x4  }
0x17d: {  	v53 =	vshll.u32 v52, $0x3  }
0x17e: {  	v3 =	vand.u32 $0x7, v52;
	v4 =	vand.u32 $0xFFFFFFC0, v53  }
0x17f: {  	v3 =	vor.u32 v3, v4  }
0x180: {  	v4 =	vperm.xlane v3, v33;
	_ =	sdelay $0x1  }
0x181: {  	v4 =	vadd.s32 v1, v4;
	_ =	sdelay $0x4  }
0x182: {  	[tilespmem:s14], [sflag:$0x2] =	stream.indirect_vreg.gather [hbm4b:s2+s3], $0x80, v4, vm15, $0xb8;
	[tilespmem:$0x14760] =	vst v63  }
0x183: {  	s11 =	simm.s32 $0xAE00;
	v3 =	vperm.xlane v3, v2  }
0x184: {  	[tilespmem:s11], [sflag:$0x2] =	stream.indirect_vreg.gather [hbm4b:s5+s3], $0x80, v4, vm15, $0xb8;
	[tilespmem:$0x14760] =	vst v63  }
0x185: {  	s12 =	simm.s32 $0xB600;
	v3 =	vadd.s32 v1, v3  }
0x186: {  	[tilespmem:s12], [sflag:$0x2] =	stream.indirect_vreg.gather [hbm4b:s6+s3], $0x80, v4, vm15, $0xb8;
	[tilespmem:$0x14760] =	vst v63  }
0x187: {  	s13 =	simm.s32 $0xBE00  }
0x188: {  	[tilespmem:s13], [sflag:$0x2] =	stream.indirect_vreg.gather [hbm4b:s7+s3], $0x80, v4, vm15, $0xb8;
	[tilespmem:$0x14760] =	vst v63  }
0x189: {  	s30 =	simm.s32 $0xC600  }
0x18a: {  	[tilespmem:s30], [sflag:$0x2] =	stream.indirect_vreg.gather [hbm4b:s2+s3], $0x80, v3, vm15, $0xb8;
	[tilespmem:$0x14760] =	vst v63  }
0x18b: {  	s30 =	simm.s32 $0xCE00  }
0x18c: {  	[tilespmem:s30], [sflag:$0x2] =	stream.indirect_vreg.gather [hbm4b:s5+s3], $0x80, v3, vm15, $0xb8;
	[tilespmem:$0x14760] =	vst v63  }
0x18d: {  	s30 =	simm.s32 $0xD600  }
0x18e: {  	[tilespmem:s30], [sflag:$0x2] =	stream.indirect_vreg.gather [hbm4b:s6+s3], $0x80, v3, vm15, $0xb8;
	[tilespmem:$0x14760] =	vst v63  }
0x18f: {  	s30 =	simm.s32 $0xDE00  }
0x190: {  	[tilespmem:s30], [sflag:$0x2] =	stream.indirect_vreg.gather [hbm4b:s7+s3], $0x80, v3, vm15, $0xb8;
	[tilespmem:$0x14760] =	vst v63  }
0x191: {  	v3 =	vld [tilespmem:$0x558];
	_ =	sdelay $0x4  }
0x192: {  	v54 =	vshll.u32 v3, $0x3  }
0x193: {  	v3 =	vand.u32 $0x7, v3;
	v4 =	vand.u32 $0xFFFFFFC0, v54  }
0x194: {  	v3 =	vor.u32 v3, v4  }
0x195: {  	v4 =	vperm.xlane v3, v33;
	_ =	sdelay $0x1  }
0x196: {  	v4 =	vadd.s32 v1, v4;
	_ =	sdelay $0x3  }
0x197: {  	s30 =	simm.s32 $0xE600  }
0x198: {  	[tilespmem:s30], [sflag:$0x2] =	stream.indirect_vreg.gather [hbm4b:s2+s3], $0x80, v4, vm15, $0xb8;
	[tilespmem:$0x14760] =	vst v63  }
0x199: {  	v3 =	vperm.xlane v3, v2;
	s30 =	simm.s32 $0xEE00  }
0x19a: {  	[tilespmem:s30], [sflag:$0x2] =	stream.indirect_vreg.gather [hbm4b:s5+s3], $0x80, v4, vm15, $0xb8;
	[tilespmem:$0x14760] =	vst v63  }
0x19b: {  	v3 =	vadd.s32 v1, v3;
	s30 =	simm.s32 $0xF600  }
0x19c: {  	[tilespmem:s30], [sflag:$0x2] =	stream.indirect_vreg.gather [hbm4b:s6+s3], $0x80, v4, vm15, $0xb8;
	[tilespmem:$0x14760] =	vst v63  }
0x19d: {  	s30 =	simm.s32 $0xFE00  }
0x19e: {  	[tilespmem:s30], [sflag:$0x2] =	stream.indirect_vreg.gather [hbm4b:s7+s3], $0x80, v4, vm15, $0xb8;
	[tilespmem:$0x14760] =	vst v63  }
0x19f: {  	s30 =	simm.s32 $0x10600  }
0x1a0: {  	[tilespmem:s30], [sflag:$0x2] =	stream.indirect_vreg.gather [hbm4b:s2+s3], $0x80, v3, vm15, $0xb8;
	[tilespmem:$0x14760] =	vst v63  }
0x1a1: {  	s30 =	simm.s32 $0x10E00  }
0x1a2: {  	[tilespmem:s30], [sflag:$0x2] =	stream.indirect_vreg.gather [hbm4b:s5+s3], $0x80, v3, vm15, $0xb8;
	[tilespmem:$0x14760] =	vst v63  }
0x1a3: {  	s30 =	simm.s32 $0x11600  }
0x1a4: {  	[tilespmem:s30], [sflag:$0x2] =	stream.indirect_vreg.gather [hbm4b:s6+s3], $0x80, v3, vm15, $0xb8;
	[tilespmem:$0x14760] =	vst v63  }
0x1a5: {  	s30 =	simm.s32 $0x11E00  }
0x1a6: {  	[tilespmem:s30], [sflag:$0x2] =	stream.indirect_vreg.gather [hbm4b:s7+s3], $0x80, v3, vm15, $0xb8;
	[tilespmem:$0x14760] =	vst v63  }
0x1a7: {  	v3 =	vld.msk [tilespmem:$0x568], $0xff;
	_ =	sdelay $0x4  }
0x1a8: {  	v55 =	vshll.u32 v3, $0x3  }
0x1a9: {  	v3 =	vand.u32 $0x7, v3;
	v4 =	vand.u32 $0xFFFFFFC0, v55  }
0x1aa: {  	v3 =	vor.u32 v3, v4  }
0x1ab: {  	v3 =	vperm.xlane v3, v33;
	_ =	sdelay $0x1  }
0x1ac: {  	v3 =	vadd.s32 v1, v3;
	_ =	sdelay $0x3  }
0x1ad: {  	s30 =	simm.s32 $0x12600  }
0x1ae: {  	[tilespmem:s30], [sflag:$0x2] =	stream.indirect_vreg.gather [hbm4b:s2+s3], $0x80, v3, vm15, $0xb8;
	[tilespmem:$0x14760] =	vst v63  }
0x1af: {  	s30 =	simm.s32 $0x12E00  }
0x1b0: {  	[tilespmem:s30], [sflag:$0x2] =	stream.indirect_vreg.gather [hbm4b:s5+s3], $0x80, v3, vm15, $0xb8;
	[tilespmem:$0x14760] =	vst v63  }
0x1b1: {  	s30 =	simm.s32 $0x13600  }
0x1b2: {  	[tilespmem:s30], [sflag:$0x2] =	stream.indirect_vreg.gather [hbm4b:s6+s3], $0x80, v3, vm15, $0xb8;
	[tilespmem:$0x14760] =	vst v63  }
0x1b3: {  	s30 =	simm.s32 $0x13E00  }
0x1b4: {  	[tilespmem:s30], [sflag:$0x2] =	stream.indirect_vreg.gather [hbm4b:s7+s3], $0x80, v3, vm15, $0xb8;
	[tilespmem:$0x14760] =	vst v63  }
0x1b5: {  	_ =	swait.ge [sflag:s8], $0xA000  }
0x1b6: {  	[sflag:s8] =	ssyncset.done $0x0  }
0x1b7: {  	s30 =	sadd.s32 $0x5000, s0;
	[sflag:s8] =	ssyncadd.s32 $0xFFFF6000  }
0x1b8: {  	[hbm4b:s30+s3] =	stream.linear.scatter [tilespmem:s15], [sflag:$0x3], $0xA000, $0x38;
	[tilespmem:$0x14760] =	vst v63  }
0x1b9: {  	_ =	swait.ge [sflag:s9], $0xA000  }
0x1ba: {  	[sflag:s9] =	ssyncset.done $0x0  }
0x1bb: {  	[sflag:s9] =	ssyncadd.s32 $0xFFFF6000  }
0x1bc: {  	v56 =	vld [tilespmem:$0x570];
	_ =	sdelay $0x4  }
0x1bd: {  	v57 =	vshll.u32 v56, $0x3  }
0x1be: {  	v3 =	vand.u32 $0x7, v56;
	v4 =	vand.u32 $0xFFFFFFC0, v57  }
0x1bf: {  	v3 =	vor.u32 v3, v4  }
0x1c0: {  	v4 =	vperm.xlane v3, v33;
	_ =	sdelay $0x1  }
0x1c1: {  	v4 =	vadd.s32 v1, v4;
	_ =	sdelay $0x4  }
0x1c2: {  	[tilespmem:s15], [sflag:$0x1] =	stream.indirect_vreg.gather [hbm4b:s2+s3], $0x80, v4, vm15, $0xb8;
	[tilespmem:$0x14760] =	vst v63  }
0x1c3: {  	s30 =	simm.s32 $0xE00;
	v3 =	vperm.xlane v3, v2  }
0x1c4: {  	[tilespmem:s30], [sflag:$0x1] =	stream.indirect_vreg.gather [hbm4b:s5+s3], $0x80, v4, vm15, $0xb8;
	[tilespmem:$0x14760] =	vst v63  }
0x1c5: {  	v3 =	vadd.s32 v1, v3;
	s30 =	simm.s32 $0x1600  }
0x1c6: {  	[tilespmem:s30], [sflag:$0x1] =	stream.indirect_vreg.gather [hbm4b:s6+s3], $0x80, v4, vm15, $0xb8;
	[tilespmem:$0x14760] =	vst v63  }
0x1c7: {  	s30 =	simm.s32 $0x1E00  }
0x1c8: {  	[tilespmem:s30], [sflag:$0x1] =	stream.indirect_vreg.gather [hbm4b:s7+s3], $0x80, v4, vm15, $0xb8;
	[tilespmem:$0x14760] =	vst v63  }
0x1c9: {  	s16 =	simm.s32 $0x2600  }
0x1ca: {  	[tilespmem:s16], [sflag:$0x1] =	stream.indirect_vreg.gather [hbm4b:s2+s3], $0x80, v3, vm15, $0xb8;
	[tilespmem:$0x14760] =	vst v63  }
0x1cb: {  	s17 =	simm.s32 $0x2E00  }
0x1cc: {  	[tilespmem:s17], [sflag:$0x1] =	stream.indirect_vreg.gather [hbm4b:s5+s3], $0x80, v3, vm15, $0xb8;
	[tilespmem:$0x14760] =	vst v63  }
0x1cd: {  	s18 =	simm.s32 $0x3600  }
0x1ce: {  	[tilespmem:s18], [sflag:$0x1] =	stream.indirect_vreg.gather [hbm4b:s6+s3], $0x80, v3, vm15, $0xb8;
	[tilespmem:$0x14760] =	vst v63  }
0x1cf: {  	s19 =	simm.s32 $0x3E00  }
0x1d0: {  	[tilespmem:s19], [sflag:$0x1] =	stream.indirect_vreg.gather [hbm4b:s7+s3], $0x80, v3, vm15, $0xb8;
	[tilespmem:$0x14760] =	vst v63  }
0x1d1: {  	v3 =	vld [tilespmem:$0x580];
	_ =	sdelay $0x4  }
0x1d2: {  	v58 =	vshll.u32 v3, $0x3  }
0x1d3: {  	v3 =	vand.u32 $0x7, v3;
	v4 =	vand.u32 $0xFFFFFFC0, v58  }
0x1d4: {  	v3 =	vor.u32 v3, v4  }
0x1d5: {  	v4 =	vperm.xlane v3, v33;
	_ =	sdelay $0x1  }
0x1d6: {  	v4 =	vadd.s32 v1, v4;
	_ =	sdelay $0x3  }
0x1d7: {  	s20 =	simm.s32 $0x4600  }
0x1d8: {  	[tilespmem:s20], [sflag:$0x1] =	stream.indirect_vreg.gather [hbm4b:s2+s3], $0x80, v4, vm15, $0xb8;
	[tilespmem:$0x14760] =	vst v63  }
0x1d9: {  	s21 =	simm.s32 $0x4E00;
	v3 =	vperm.xlane v3, v2  }
0x1da: {  	[tilespmem:s21], [sflag:$0x1] =	stream.indirect_vreg.gather [hbm4b:s5+s3], $0x80, v4, vm15, $0xb8;
	[tilespmem:$0x14760] =	vst v63  }
0x1db: {  	s22 =	simm.s32 $0x5600;
	v3 =	vadd.s32 v1, v3  }
0x1dc: {  	[tilespmem:s22], [sflag:$0x1] =	stream.indirect_vreg.gather [hbm4b:s6+s3], $0x80, v4, vm15, $0xb8;
	[tilespmem:$0x14760] =	vst v63  }
0x1dd: {  	s23 =	simm.s32 $0x5E00  }
0x1de: {  	[tilespmem:s23], [sflag:$0x1] =	stream.indirect_vreg.gather [hbm4b:s7+s3], $0x80, v4, vm15, $0xb8;
	[tilespmem:$0x14760] =	vst v63  }
0x1df: {  	s24 =	simm.s32 $0x6600  }
0x1e0: {  	[tilespmem:s24], [sflag:$0x1] =	stream.indirect_vreg.gather [hbm4b:s2+s3], $0x80, v3, vm15, $0xb8;
	[tilespmem:$0x14760] =	vst v63  }
0x1e1: {  	s25 =	simm.s32 $0x6E00  }
0x1e2: {  	[tilespmem:s25], [sflag:$0x1] =	stream.indirect_vreg.gather [hbm4b:s5+s3], $0x80, v3, vm15, $0xb8;
	[tilespmem:$0x14760] =	vst v63  }
0x1e3: {  	s26 =	simm.s32 $0x7600  }
0x1e4: {  	[tilespmem:s26], [sflag:$0x1] =	stream.indirect_vreg.gather [hbm4b:s6+s3], $0x80, v3, vm15, $0xb8;
	[tilespmem:$0x14760] =	vst v63  }
0x1e5: {  	s28 =	simm.s32 $0x7E00  }
0x1e6: {  	[tilespmem:s28], [sflag:$0x1] =	stream.indirect_vreg.gather [hbm4b:s7+s3], $0x80, v3, vm15, $0xb8;
	[tilespmem:$0x14760] =	vst v63  }
0x1e7: {  	v3 =	vld.msk [tilespmem:$0x590], $0xff;
	_ =	sdelay $0x4  }
0x1e8: {  	v59 =	vshll.u32 v3, $0x3  }
0x1e9: {  	v3 =	vand.u32 $0x7, v3;
	v4 =	vand.u32 $0xFFFFFFC0, v59  }
0x1ea: {  	v3 =	vor.u32 v3, v4  }
0x1eb: {  	v3 =	vperm.xlane v3, v33;
	_ =	sdelay $0x1  }
0x1ec: {  	v3 =	vadd.s32 v1, v3;
	_ =	sdelay $0x3  }
0x1ed: {  	s29 =	simm.s32 $0x8600  }
0x1ee: {  	[tilespmem:s29], [sflag:$0x1] =	stream.indirect_vreg.gather [hbm4b:s2+s3], $0x80, v3, vm15, $0xb8;
	[tilespmem:$0x14760] =	vst v63  }
0x1ef: {  	s31 =	simm.s32 $0x8E00  }
0x1f0: {  	[tilespmem:s31], [sflag:$0x1] =	stream.indirect_vreg.gather [hbm4b:s5+s3], $0x80, v3, vm15, $0xb8;
	[tilespmem:$0x14760] =	vst v63  }
0x1f1: {  	s31 =	simm.s32 $0x9600  }
0x1f2: {  	[tilespmem:s31], [sflag:$0x1] =	stream.indirect_vreg.gather [hbm4b:s6+s3], $0x80, v3, vm15, $0xb8;
	[tilespmem:$0x14760] =	vst v63  }
0x1f3: {  	_ = 	snop  }
0x1f4: {  	[tilespmem:s10], [sflag:$0x1] =	stream.indirect_vreg.gather [hbm4b:s7+s3], $0x80, v3, vm15, $0xb8;
	[tilespmem:$0x14760] =	vst v63  }
0x1f5: {  	_ =	swait.ge [sflag:s1], $0xA000  }
0x1f6: {  	[sflag:s1] =	ssyncset.done $0x0  }
0x1f7: {  	s10 =	sadd.s32 $0x6400, s0;
	[sflag:s1] =	ssyncadd.s32 $0xFFFF6000  }
0x1f8: {  	[hbm4b:s10+s3] =	stream.linear.scatter [tilespmem:s14], [sflag:$0x4], $0xA000, $0x38;
	[tilespmem:$0x14760] =	vst v63  }
0x1f9: {  	_ =	swait.ge [sflag:s4], $0xA000  }
0x1fa: {  	[sflag:s4] =	ssyncset.done $0x0  }
0x1fb: {  	[sflag:s4] =	ssyncadd.s32 $0xFFFF6000  }
0x1fc: {  	v60 =	vld [tilespmem:$0x598];
	_ =	sdelay $0x4  }
0x1fd: {  	v61 =	vshll.u32 v60, $0x3  }
0x1fe: {  	v3 =	vand.u32 $0x7, v60;
	v4 =	vand.u32 $0xFFFFFFC0, v61  }
0x1ff: {  	v3 =	vor.u32 v3, v4  }
0x200: {  	v4 =	vperm.xlane v3, v33;
	_ =	sdelay $0x1  }
0x201: {  	v4 =	vadd.s32 v1, v4;
	_ =	sdelay $0x4  }
0x202: {  	[tilespmem:s14], [sflag:$0x2] =	stream.indirect_vreg.gather [hbm4b:s2+s3], $0x80, v4, vm15, $0xb8;
	[tilespmem:$0x14760] =	vst v63  }
0x203: {  	v3 =	vperm.xlane v3, v2  }
0x204: {  	[tilespmem:s11], [sflag:$0x2] =	stream.indirect_vreg.gather [hbm4b:s5+s3], $0x80, v4, vm15, $0xb8;
	[tilespmem:$0x14760] =	vst v63  }
0x205: {  	v3 =	vadd.s32 v1, v3  }
0x206: {  	[tilespmem:s12], [sflag:$0x2] =	stream.indirect_vreg.gather [hbm4b:s6+s3], $0x80, v4, vm15, $0xb8;
	[tilespmem:$0x14760] =	vst v63  }
0x207: {  	_ = 	snop  }
0x208: {  	[tilespmem:s13], [sflag:$0x2] =	stream.indirect_vreg.gather [hbm4b:s7+s3], $0x80, v4, vm15, $0xb8;
	[tilespmem:$0x14760] =	vst v63  }
0x209: {  	s11 =	simm.s32 $0xC600  }
0x20a: {  	[tilespmem:s11], [sflag:$0x2] =	stream.indirect_vreg.gather [hbm4b:s2+s3], $0x80, v3, vm15, $0xb8;
	[tilespmem:$0x14760] =	vst v63  }
0x20b: {  	s12 =	simm.s32 $0xCE00  }
0x20c: {  	[tilespmem:s12], [sflag:$0x2] =	stream.indirect_vreg.gather [hbm4b:s5+s3], $0x80, v3, vm15, $0xb8;
	[tilespmem:$0x14760] =	vst v63  }
0x20d: {  	s13 =	simm.s32 $0xD600  }
0x20e: {  	[tilespmem:s13], [sflag:$0x2] =	stream.indirect_vreg.gather [hbm4b:s6+s3], $0x80, v3, vm15, $0xb8;
	[tilespmem:$0x14760] =	vst v63  }
0x20f: {  	s16 =	simm.s32 $0xDE00  }
0x210: {  	[tilespmem:s16], [sflag:$0x2] =	stream.indirect_vreg.gather [hbm4b:s7+s3], $0x80, v3, vm15, $0xb8;
	[tilespmem:$0x14760] =	vst v63  }
0x211: {  	v3 =	vld [tilespmem:$0x5A8];
	_ =	sdelay $0x4  }
0x212: {  	v62 =	vshll.u32 v3, $0x3  }
0x213: {  	v3 =	vand.u32 $0x7, v3;
	v4 =	vand.u32 $0xFFFFFFC0, v62  }
0x214: {  	v3 =	vor.u32 v3, v4  }
0x215: {  	v4 =	vperm.xlane v3, v33;
	_ =	sdelay $0x1  }
0x216: {  	v4 =	vadd.s32 v1, v4;
	_ =	sdelay $0x3  }
0x217: {  	s17 =	simm.s32 $0xE600  }
0x218: {  	[tilespmem:s17], [sflag:$0x2] =	stream.indirect_vreg.gather [hbm4b:s2+s3], $0x80, v4, vm15, $0xb8;
	[tilespmem:$0x14760] =	vst v63  }
0x219: {  	s18 =	simm.s32 $0xEE00;
	v2 =	vperm.xlane v3, v2  }
0x21a: {  	[tilespmem:s18], [sflag:$0x2] =	stream.indirect_vreg.gather [hbm4b:s5+s3], $0x80, v4, vm15, $0xb8;
	[tilespmem:$0x14760] =	vst v63  }
0x21b: {  	s19 =	simm.s32 $0xF600;
	v2 =	vadd.s32 v1, v2  }
0x21c: {  	[tilespmem:s19], [sflag:$0x2] =	stream.indirect_vreg.gather [hbm4b:s6+s3], $0x80, v4, vm15, $0xb8;
	[tilespmem:$0x14760] =	vst v63  }
0x21d: {  	s20 =	simm.s32 $0xFE00  }
0x21e: {  	[tilespmem:s20], [sflag:$0x2] =	stream.indirect_vreg.gather [hbm4b:s7+s3], $0x80, v4, vm15, $0xb8;
	[tilespmem:$0x14760] =	vst v63  }
0x21f: {  	s21 =	simm.s32 $0x10600  }
0x220: {  	[tilespmem:s21], [sflag:$0x2] =	stream.indirect_vreg.gather [hbm4b:s2+s3], $0x80, v2, vm15, $0xb8;
	[tilespmem:$0x14760] =	vst v63  }
0x221: {  	s22 =	simm.s32 $0x10E00  }
0x222: {  	[tilespmem:s22], [sflag:$0x2] =	stream.indirect_vreg.gather [hbm4b:s5+s3], $0x80, v2, vm15, $0xb8;
	[tilespmem:$0x14760] =	vst v63  }
0x223: {  	s23 =	simm.s32 $0x11600  }
0x224: {  	[tilespmem:s23], [sflag:$0x2] =	stream.indirect_vreg.gather [hbm4b:s6+s3], $0x80, v2, vm15, $0xb8;
	[tilespmem:$0x14760] =	vst v63  }
0x225: {  	s24 =	simm.s32 $0x11E00  }
0x226: {  	[tilespmem:s24], [sflag:$0x2] =	stream.indirect_vreg.gather [hbm4b:s7+s3], $0x80, v2, vm15, $0xb8;
	[tilespmem:$0x14760] =	vst v63  }
0x227: {  	v2 =	vld.msk [tilespmem:$0x5B8], $0xff;
	_ =	sdelay $0x4  }
0x228: {  	v63 =	vshll.u32 v2, $0x3  }
0x229: {  	v2 =	vand.u32 $0x7, v2;
	v3 =	vand.u32 $0xFFFFFFC0, v63  }
0x22a: {  	v2 =	vor.u32 v2, v3  }
0x22b: {  	v0 =	vperm.xlane v2, v33;
	_ =	sdelay $0x1  }
0x22c: {  	v0 =	vadd.s32 v1, v0;
	_ =	sdelay $0x3  }
0x22d: {  	s25 =	simm.s32 $0x12600  }
0x22e: {  	[tilespmem:s25], [sflag:$0x2] =	stream.indirect_vreg.gather [hbm4b:s2+s3], $0x80, v0, vm15, $0xb8;
	[tilespmem:$0x14760] =	vst v63  }
0x22f: {  	s26 =	simm.s32 $0x12E00  }
0x230: {  	[tilespmem:s26], [sflag:$0x2] =	stream.indirect_vreg.gather [hbm4b:s5+s3], $0x80, v0, vm15, $0xb8;
	[tilespmem:$0x14760] =	vst v63  }
0x231: {  	s28 =	simm.s32 $0x13600  }
0x232: {  	[tilespmem:s28], [sflag:$0x2] =	stream.indirect_vreg.gather [hbm4b:s6+s3], $0x80, v0, vm15, $0xb8;
	[tilespmem:$0x14760] =	vst v63  }
0x233: {  	s29 =	simm.s32 $0x13E00  }
0x234: {  	[tilespmem:s29], [sflag:$0x2] =	stream.indirect_vreg.gather [hbm4b:s7+s3], $0x80, v0, vm15, $0xb8;
	[tilespmem:$0x14760] =	vst v63  }
0x235: {  	_ =	swait.ge [sflag:s8], $0xA000  }
0x236: {  	[sflag:s8] =	ssyncset.done $0x0  }
0x237: {  	s30 =	sadd.s32 $0x7800, s0;
	[sflag:s8] =	ssyncadd.s32 $0xFFFF6000  }
0x238: {  	[hbm4b:s30+s3] =	stream.linear.scatter [tilespmem:s15], [sflag:$0x3], $0xA000, $0x38;
	[tilespmem:$0x14760] =	vst v63  }
0x239: {  	_ =	swait.ge [sflag:s1], $0xA000  }
0x23a: {  	[sflag:s1] =	ssyncset.done $0x0  }
0x23b: {  	s0 =	sadd.s32 $0x8C00, s0;
	[sflag:s1] =	ssyncadd.s32 $0xFFFF6000  }
0x23c: {  	[hbm4b:s0+s3] =	stream.linear.scatter [tilespmem:s14], [sflag:$0x4], $0xA000, $0x38;
	[tilespmem:$0x14760] =	vst v63  }
0x23d: {  	_ =	swait.ge [sflag:s9], $0xA000  }
0x23e: {  	[sflag:s9] =	ssyncset.done $0x0  }
0x23f: {  	[sflag:s9] =	ssyncadd.s32 $0xFFFF6000  }
0x240: {  	_ =	swait.ge [sflag:s4], $0xA000  }
0x241: {  	[sflag:s4] =	ssyncset.done $0x0  }
0x242: {  	[sflag:s4] =	ssyncadd.s32 $0xFFFF6000  }
0x243: {  	_ =	sfence.sel $0x180000  }
0x244: {  	[bflag:$0x0] =	sbarrier.arrive $0xFFFF  }
0x245: {  	_ =	strace $0x90000047  }
0x246: {  	s31 =	stileid.u32;
	[bflag:$0x2] =	sbarrier.arrive $0xFFFF  }
0x247: {  	p0 =	sne.s32 s31, $0x0;
	s0 =	rddreg [dreg:$0x3]  }
0x248: {  	s0 =	sadd.s32 @!p0 $0x100000, s0  }
0x249: {  	[sflag:s0] =	ssyncadd.tile.s32 @!p0 $0x1;
	_ =	shalt  }
.Lfunc_end2:
_tile_overlayer_lowered:
.L_overlay_start_2:
0x24a: {  	(tag) =	ssettag $0x2  }
0x24b: {  	s0 =	rddreg [dreg:$0x0];
	s2 =	stileid.u32  }
0x24c: {  	s1 =	rddreg [dreg:$0x1];
	p0 =	sne.s32 s2, $0x0  }
0x24d: {  	s3 =	rddreg [dreg:$0x2];
	[bflag:$0x3] =	sbarrier.arrive $0xFFFF;
	s2 =	simm.s32 @!p0 $0x1C05  }
0x24e: {  	[timem:s3], [sflag:s2] =	dma.local @!p0 [hbm:s0], s1  }
0x24f: {  	s0 =	simm.s32 @!p0 $0x5  }
0x250: {  	_ =	swait.ge @!p0 [sflag:s0], s1  }
0x251: {  	s1 =	ssub.s32 @!p0 $0x0, s1;
	[sflag:s0] =	ssyncset.done @!p0 $0x0  }
0x252: {  	[sflag:s0] =	ssyncadd.s32 @!p0 s1  }
0x253: {  	[bflag:$0x3] =	sbarrier.arrive $0xFFFF  }
0x254: {  	_ =	shalt  }

</sc_bundles>
